<compile_context>
chip_gen: v7x
topology: tpu7x:2x2x1
jax: 0.10.2.dev20260603
libtpu: 0.0.44.dev20260713+nightly
codegen_flags: <defaults>
</compile_context>

<pallas_src>
import functools
import math

import jax
import jax.numpy as jnp
from jax import lax
from jax.experimental import pallas as pl
from jax.experimental.pallas import tpu as pltpu
from jax.experimental.pallas import tpu_sc as plsc

VOCAB = 100000
EMB = 64
SCALE = math.sqrt(EMB)

BATCH = 4096
SEQ = 200
B = BATCH * SEQ
NC, NS = 2, 16
NW = NC * NS
B_PER_W = B // NW
BLK = 128
NBLK_W = B_PER_W // BLK
NBT = BATCH // BLK


def _scale_body(w_ref, o_ref):
    o_ref[...] = w_ref[...] * SCALE


_scale_table = pl.pallas_call(
    _scale_body,
    grid=(10,),
    in_specs=[pl.BlockSpec((VOCAB // 10, EMB), lambda i: (i, 0))],
    out_specs=pl.BlockSpec((VOCAB // 10, EMB), lambda i: (i, 0)),
    out_shape=jax.ShapeDtypeStruct((VOCAB, EMB), jnp.float32),
)

_mesh = plsc.VectorSubcoreMesh(core_axis_name="c", subcore_axis_name="s")


def _transpose_block(g, gt):
    lanes = lax.iota(jnp.int32, 16)
    rj = [lanes + j * 16 for j in range(EMB // 16)]

    def row(i, cidx):
        for j in range(EMB // 16):
            v = g[i, pl.ds(j * 16, 16)]
            plsc.store_scatter(gt, [rj[j], cidx], v)
        return cidx + 1

    lax.fori_loop(0, BLK, row, lanes * 0, unroll=4)


@functools.partial(
    pl.kernel,
    mesh=_mesh,
    out_type=jax.ShapeDtypeStruct((SEQ, 8, NBT, 8, BLK), jnp.float32),
    scratch_types=[
        pltpu.VMEM((B_PER_W,), jnp.int32),
        pltpu.VMEM((BLK, EMB), jnp.float32),
        pltpu.VMEM((BLK, EMB), jnp.float32),
        pltpu.VMEM((EMB, BLK + 1), jnp.float32),
        pltpu.VMEM((EMB, BLK + 1), jnp.float32),
        pltpu.SemaphoreType.DMA,
        pltpu.SemaphoreType.DMA,
        pltpu.SemaphoreType.DMA,
        pltpu.SemaphoreType.DMA,
    ],
    compiler_params=pltpu.CompilerParams(use_tc_tiling_on_sc=False, needs_layout_passes=False),
)
def _gather_t(idx_hbm, table_hbm, out_hbm, idx_v, g0, g1, gt0, gt1, sem0, sem1, semo0, semo1):
    wid = lax.axis_index("s") * NC + lax.axis_index("c")
    base = wid * B_PER_W
    blk0 = wid * NBLK_W

    pltpu.sync_copy(idx_hbm.at[pl.ds(base, B_PER_W)], idx_v)

    def idx_at(k):
        return idx_v.at[pl.ds(k * BLK, BLK)]

    def emit(k, g, gt, semo):
        bid = blk0 + k
        s = bid // NBT
        bt = bid % NBT
        _transpose_block(g, gt)
        for eh in range(8):
            pltpu.async_copy(gt.at[pl.ds(eh * 8, 8), pl.ds(0, BLK)],
                             out_hbm.at[s, eh, bt], semo)

    def drain_emit(k, gt, semo):
        bid = blk0 + k
        s = bid // NBT
        bt = bid % NBT
        for eh in range(8):
            pltpu.make_async_copy(gt.at[pl.ds(eh * 8, 8), pl.ds(0, BLK)],
                                  out_hbm.at[s, eh, bt], semo).wait()

    pltpu.async_copy(table_hbm.at[idx_at(0)], g0, sem0)

    def pair(p, carry):
        k0 = 2 * p
        k1 = k0 + 1
        pltpu.async_copy(table_hbm.at[idx_at(k1)], g1, sem1)
        pltpu.make_async_copy(table_hbm.at[idx_at(k0)], g0, sem0).wait()

        @pl.when(p > 0)
        def _():
            drain_emit(k0 - 2, gt0, semo0)

        emit(k0, g0, gt0, semo0)

        @pl.when(p < NBLK_W // 2 - 1)
        def _():
            pltpu.async_copy(table_hbm.at[idx_at(k0 + 2)], g0, sem0)

        pltpu.make_async_copy(table_hbm.at[idx_at(k1)], g1, sem1).wait()

        @pl.when(p > 0)
        def _():
            drain_emit(k1 - 2, gt1, semo1)

        emit(k1, g1, gt1, semo1)
        return carry

    lax.fori_loop(0, NBLK_W // 2, pair, 0)
    drain_emit(NBLK_W - 2, gt0, semo0)
    drain_emit(NBLK_W - 1, gt1, semo1)


def kernel(tokens, emb_weight):
    table = _scale_table(emb_weight)
    flat = tokens.T.reshape(-1).astype(jnp.int32)
    y = _gather_t(flat, table)
    return y.transpose(2, 4, 0, 1, 3).reshape(BATCH, SEQ, EMB)

# --- scband reference (transcript-rebuilt; emitter-appended) ---
"""Pipeline reference for scband-token-embedding-63763084476496 (READ-ONLY COPY).

The authoritative reference and input builder live on the scoring server;
editing this copy changes nothing except your own understanding.
"""

import jax, jax.numpy as jnp
import numpy as np
import math

VOCAB = 100000
EMB_DIM = 64

def setup_inputs(seed: int = 0) -> dict:
    key = jax.random.key(seed)
    k1, k2 = jax.random.split(key)
    tokens = jax.random.randint(k1, (4096, 200), 0, VOCAB, dtype=jnp.int64 if jax.config.jax_enable_x64 else jnp.int32)
    emb_weight = jax.random.normal(k2, (VOCAB, EMB_DIM), dtype=jnp.float32)
    return {"tokens": tokens, "emb_weight": emb_weight}

def reference(tokens, emb_weight):
    # TokenEmbedding.forward: self.emb(tokens.long()) * sqrt(emb_size)
    out = jnp.take(emb_weight, tokens, axis=0) * math.sqrt(EMB_DIM)
    return out

if __name__ == "__main__":
    import jax
    _d = setup_inputs()
    print(jax.jit(kernel)(*tuple(_d.values())))

</pallas_src>

<mosaic_0001>
#map = affine_map<(d0, d1) -> (0)>
#map1 = affine_map<(d0, d1) -> (0, 0)>
#map2 = affine_map<(d0, d1) -> (0, 0, 0, 0, 0)>
module attributes {stable_mosaic.version = 14 : i64} {
  func.func @_gather_t(%arg0: i32, %arg1: i32, %arg2: memref<819200xi32, #tpu.memory_space<hbm>>, %arg3: memref<100000x64xf32, #tpu.memory_space<hbm>>, %arg4: memref<200x8x32x8x128xf32, #tpu.memory_space<hbm>>, %arg5: memref<25600xi32, #tpu.memory_space<vmem>>, %arg6: memref<128x64xf32, #tpu.memory_space<vmem>>, %arg7: memref<128x64xf32, #tpu.memory_space<vmem>>, %arg8: memref<64x129xf32, #tpu.memory_space<vmem>>, %arg9: memref<64x129xf32, #tpu.memory_space<vmem>>, %arg10: memref<!tpu.dma_semaphore, #tpu.memory_space<semaphore_mem>>, %arg11: memref<!tpu.dma_semaphore, #tpu.memory_space<semaphore_mem>>, %arg12: memref<!tpu.dma_semaphore, #tpu.memory_space<semaphore_mem>>, %arg13: memref<!tpu.dma_semaphore, #tpu.memory_space<semaphore_mem>>) attributes {dimension_semantics = [#tpu.dimension_semantics<core_parallel>, #tpu.dimension_semantics<subcore_parallel>], iteration_bounds = array<i64: 2, 16>, scalar_prefetch = 0 : i64, scratch_operands = 9 : i64, tpu.core_type = #tpu.core_type<sc_vector_subcore>, window_params = [{transform_indices = #map}, {transform_indices = #map1}, {transform_indices = #map2}]} {
    %mul3A = arith.constant 2 : i32
    %mul3A_0 = arith.muli %arg1, %mul3A : i32
    %add3A = arith.addi %mul3A_0, %arg0 : i32
    %mul3A_1 = arith.constant 25600 : i32
    %mul3A_2 = arith.muli %add3A, %mul3A_1 : i32
    %mul3A_3 = arith.constant 200 : i32
    %mul3A_4 = arith.muli %add3A, %mul3A_3 : i32
    "tpu.region"() ({
      %run_scoped3A = tpu.sem_alloc : memref<!tpu.dma_semaphore, #tpu.memory_space<semaphore_mem>>
      %dma_start3A_327 = tpu.memref_slice %arg2[%mul3A_2] : memref<819200xi32, #tpu.memory_space<hbm>> -> memref<25600xi32, #tpu.memory_space<hbm>>
      %dma_start3A_328 = tpu.memref_slice %arg2[%mul3A_2] : memref<819200xi32, #tpu.memory_space<hbm>> -> memref<25600xi32, #tpu.memory_space<hbm>>
      tpu.enqueue_dma source(%dma_start3A_328 : memref<25600xi32, #tpu.memory_space<hbm>>) target(%arg5 : memref<25600xi32, #tpu.memory_space<vmem>>) target_semaphore(%run_scoped3A : memref<!tpu.dma_semaphore, #tpu.memory_space<semaphore_mem>>)
      %dma_wait3A_329 = tpu.memref_slice %arg2[%mul3A_2] : memref<819200xi32, #tpu.memory_space<hbm>> -> memref<25600xi32, #tpu.memory_space<hbm>>
      %dma_wait3A_330 = tpu.memref_slice %arg2[%mul3A_2] : memref<819200xi32, #tpu.memory_space<hbm>> -> memref<25600xi32, #tpu.memory_space<hbm>>
      tpu.wait_dma2 semaphore(%run_scoped3A : memref<!tpu.dma_semaphore, #tpu.memory_space<semaphore_mem>>) src(%dma_wait3A_330 : memref<25600xi32, #tpu.memory_space<hbm>>) dst(%arg5 : memref<25600xi32, #tpu.memory_space<vmem>>)
      tpu.yield
    }) : () -> ()
    %dma_start3A = arith.constant 0 : i32
    %dma_start3A_5 = tpu.memref_slice %arg5[%dma_start3A] : memref<25600xi32, #tpu.memory_space<vmem>> -> memref<128xi32, #tpu.memory_space<vmem>>
    %dma_start3A_6 = arith.constant 0 : i32
    %dma_start3A_7 = arith.constant 0 : i32
    %dma_start3A_8 = tpu.memref_slice %arg3[%dma_start3A_6, %dma_start3A_7] : memref<100000x64xf32, #tpu.memory_space<hbm>> -> memref<100000x64xf32, #tpu.memory_space<hbm>>
    tpu.enqueue_indirect_dma source(%dma_start3A_8 : memref<100000x64xf32, #tpu.memory_space<hbm>>) target(%arg6 : memref<128x64xf32, #tpu.memory_space<vmem>>) offsets(%dma_start3A_5 : memref<128xi32, #tpu.memory_space<vmem>>) semaphore(%arg10 : memref<!tpu.dma_semaphore, #tpu.memory_space<semaphore_mem>>)
    %scan3A = arith.constant 0 : i32
    %scan3A_9 = arith.constant 0 : i32
    %scan3A_10 = arith.constant 100 : i32
    %scan3A_11 = arith.addi %scan3A_9, %scan3A_10 : i32
    %scan3A_12 = arith.constant 1 : i32
    scf.for %scan3A_327 = %scan3A_9 to %scan3A_11 step %scan3A_12  : i32 {
      %mul3A_328 = arith.constant 2 : i32
      %mul3A_329 = arith.muli %mul3A_328, %scan3A_327 : i32
      %add3A_330 = arith.constant 1 : i32
      %add3A_331 = arith.addi %mul3A_329, %add3A_330 : i32
      %mul3A_332 = arith.constant 128 : i32
      %mul3A_333 = arith.muli %add3A_331, %mul3A_332 : i32
      %dma_start3A_334 = tpu.memref_slice %arg5[%mul3A_333] : memref<25600xi32, #tpu.memory_space<vmem>> -> memref<128xi32, #tpu.memory_space<vmem>>
      %dma_start3A_335 = arith.constant 0 : i32
      %dma_start3A_336 = arith.constant 0 : i32
      %dma_start3A_337 = tpu.memref_slice %arg3[%dma_start3A_335, %dma_start3A_336] : memref<100000x64xf32, #tpu.memory_space<hbm>> -> memref<100000x64xf32, #tpu.memory_space<hbm>>
      tpu.enqueue_indirect_dma source(%dma_start3A_337 : memref<100000x64xf32, #tpu.memory_space<hbm>>) target(%arg7 : memref<128x64xf32, #tpu.memory_space<vmem>>) offsets(%dma_start3A_334 : memref<128xi32, #tpu.memory_space<vmem>>) semaphore(%arg11 : memref<!tpu.dma_semaphore, #tpu.memory_space<semaphore_mem>>)
      %mul3A_338 = arith.constant 128 : i32
      %mul3A_339 = arith.muli %mul3A_329, %mul3A_338 : i32
      %dma_wait3A_340 = tpu.memref_slice %arg5[%mul3A_339] : memref<25600xi32, #tpu.memory_space<vmem>> -> memref<128xi32, #tpu.memory_space<vmem>>
      %dma_wait3A_341 = arith.constant 0 : i32
      %dma_wait3A_342 = arith.constant 0 : i32
      %dma_wait3A_343 = tpu.memref_slice %arg3[%dma_wait3A_341, %dma_wait3A_342] : memref<100000x64xf32, #tpu.memory_space<hbm>> -> memref<100000x64xf32, #tpu.memory_space<hbm>>
      tpu.wait_indirect_dma semaphore(%arg10 : memref<!tpu.dma_semaphore, #tpu.memory_space<semaphore_mem>>) src(%dma_wait3A_343 : memref<100000x64xf32, #tpu.memory_space<hbm>>) dst(%arg6 : memref<128x64xf32, #tpu.memory_space<vmem>>)
      %gt3A = arith.constant 0 : i32
      %gt3A_344 = arith.cmpi sgt, %scan3A_327, %gt3A : i32
      %convert_element_type3A = arith.extui %gt3A_344 : i1 to i32
      %cond3A = arith.constant 0 : i32
      %cond3A_345 = arith.cmpi ne, %convert_element_type3A, %cond3A : i32
      scf.if %cond3A_345 {
        %sub3A_727 = arith.constant 2 : i32
        %sub3A_728 = arith.subi %mul3A_329, %sub3A_727 : i32
        %add3A_729 = arith.addi %mul3A_4, %sub3A_728 : i32
        %jit3A_730 = arith.constant 32 : i32
        %div3A_731 = arith.divsi %add3A_729, %jit3A_730 : i32
        %sign3A_732 = arith.constant 0 : i32
        %sign3A_733 = arith.cmpi sgt, %add3A_729, %sign3A_732 : i32
        %sign3A_734 = arith.extui %sign3A_733 : i1 to i32
        %sign3A_735 = arith.constant 0 : i32
        %sign3A_736 = arith.cmpi slt, %add3A_729, %sign3A_735 : i32
        %sign3A_737 = arith.extui %sign3A_736 : i1 to i32
        %sign3A_738 = arith.subi %sign3A_734, %sign3A_737 : i32
        %sign3A_739 = arith.constant 0 : i32
        %sign3A_740 = arith.cmpi sgt, %jit3A_730, %sign3A_739 : i32
        %sign3A_741 = arith.extui %sign3A_740 : i1 to i32
        %sign3A_742 = arith.constant 0 : i32
        %sign3A_743 = arith.cmpi slt, %jit3A_730, %sign3A_742 : i32
        %sign3A_744 = arith.extui %sign3A_743 : i1 to i32
        %sign3A_745 = arith.subi %sign3A_741, %sign3A_744 : i32
        %ne3A_746 = arith.cmpi ne, %sign3A_738, %sign3A_745 : i32
        %rem3A_747 = arith.remsi %add3A_729, %jit3A_730 : i32
        %ne3A_748 = arith.constant 0 : i32
        %ne3A_749 = arith.cmpi ne, %rem3A_747, %ne3A_748 : i32
        %and3A_750 = arith.andi %ne3A_746, %ne3A_749 : i1
        %sub3A_751 = arith.constant 1 : i32
        %sub3A_752 = arith.subi %div3A_731, %sub3A_751 : i32
        %select_n3A_753 = arith.select %and3A_750, %sub3A_752, %div3A_731 : i32
        %jit3A_754 = arith.constant 32 : i32
        %eq3A_755 = arith.constant 0 : i32
        %eq3A_756 = arith.cmpi eq, %jit3A_754, %eq3A_755 : i32
        %jit3A_757 = arith.constant 1 : i32
        %select_n3A_758 = arith.select %eq3A_756, %jit3A_757, %jit3A_754 : i32
        %rem3A_759 = arith.remsi %add3A_729, %select_n3A_758 : i32
        %ne3A_760 = arith.constant 0 : i32
        %ne3A_761 = arith.cmpi ne, %rem3A_759, %ne3A_760 : i32
        %lt3A_762 = arith.constant 0 : i32
        %lt3A_763 = arith.cmpi slt, %rem3A_759, %lt3A_762 : i32
        %lt3A_764 = arith.constant 0 : i32
        %lt3A_765 = arith.cmpi slt, %select_n3A_758, %lt3A_764 : i32
        %ne3A_766 = arith.xori %lt3A_763, %lt3A_765 : i1
        %and3A_767 = arith.andi %ne3A_766, %ne3A_761 : i1
        %add3A_768 = arith.addi %rem3A_759, %select_n3A_758 : i32
        %select_n3A_769 = arith.select %and3A_767, %add3A_768, %rem3A_759 : i32
        %dma_wait3A_770 = arith.constant 0 : i32
        %dma_wait3A_771 = arith.constant 0 : i32
        %dma_wait3A_772 = arith.constant 0 : i32
        %dma_wait3A_773 = tpu.memref_slice %arg8[%dma_wait3A_771, %dma_wait3A_772] : memref<64x129xf32, #tpu.memory_space<vmem>> -> memref<8x128xf32, #tpu.memory_space<vmem>>
        %dma_wait3A_774 = arith.constant 0 : i32
        %dma_wait3A_775 = arith.constant 0 : i32
        %dma_wait3A_776 = tpu.memref_slice %arg4[%select_n3A_753, %dma_wait3A_770, %select_n3A_769, %dma_wait3A_774, %dma_wait3A_775] : memref<200x8x32x8x128xf32, #tpu.memory_space<hbm>> -> memref<1x1x1x8x128xf32, #tpu.memory_space<hbm>>
        %dma_wait3A_777 = tpu.memref_squeeze %dma_wait3A_776 : memref<1x1x1x8x128xf32, #tpu.memory_space<hbm>> -> memref<8x128xf32, #tpu.memory_space<hbm>>
        %dma_wait3A_778 = arith.constant 0 : i32
        %dma_wait3A_779 = arith.constant 0 : i32
        %dma_wait3A_780 = tpu.memref_slice %arg4[%select_n3A_753, %dma_wait3A_770, %select_n3A_769, %dma_wait3A_778, %dma_wait3A_779] : memref<200x8x32x8x128xf32, #tpu.memory_space<hbm>> -> memref<1x1x1x8x128xf32, #tpu.memory_space<hbm>>
        %dma_wait3A_781 = tpu.memref_squeeze %dma_wait3A_780 : memref<1x1x1x8x128xf32, #tpu.memory_space<hbm>> -> memref<8x128xf32, #tpu.memory_space<hbm>>
        %dma_wait3A_782 = arith.constant 0 : i32
        %dma_wait3A_783 = arith.constant 0 : i32
        %dma_wait3A_784 = tpu.memref_slice %arg8[%dma_wait3A_782, %dma_wait3A_783] : memref<64x129xf32, #tpu.memory_space<vmem>> -> memref<8x128xf32, #tpu.memory_space<vmem>>
        tpu.wait_dma2 semaphore(%arg12 : memref<!tpu.dma_semaphore, #tpu.memory_space<semaphore_mem>>) src(%dma_wait3A_784 : memref<8x128xf32, #tpu.memory_space<vmem>>) dst(%dma_wait3A_781 : memref<8x128xf32, #tpu.memory_space<hbm>>)
        %dma_wait3A_785 = arith.constant 1 : i32
        %dma_wait3A_786 = arith.constant 8 : i32
        %dma_wait3A_787 = arith.constant 0 : i32
        %dma_wait3A_788 = tpu.memref_slice %arg8[%dma_wait3A_786, %dma_wait3A_787] : memref<64x129xf32, #tpu.memory_space<vmem>> -> memref<8x128xf32, #tpu.memory_space<vmem>>
        %dma_wait3A_789 = arith.constant 0 : i32
        %dma_wait3A_790 = arith.constant 0 : i32
        %dma_wait3A_791 = tpu.memref_slice %arg4[%select_n3A_753, %dma_wait3A_785, %select_n3A_769, %dma_wait3A_789, %dma_wait3A_790] : memref<200x8x32x8x128xf32, #tpu.memory_space<hbm>> -> memref<1x1x1x8x128xf32, #tpu.memory_space<hbm>>
        %dma_wait3A_792 = tpu.memref_squeeze %dma_wait3A_791 : memref<1x1x1x8x128xf32, #tpu.memory_space<hbm>> -> memref<8x128xf32, #tpu.memory_space<hbm>>
        %dma_wait3A_793 = arith.constant 0 : i32
        %dma_wait3A_794 = arith.constant 0 : i32
        %dma_wait3A_795 = tpu.memref_slice %arg4[%select_n3A_753, %dma_wait3A_785, %select_n3A_769, %dma_wait3A_793, %dma_wait3A_794] : memref<200x8x32x8x128xf32, #tpu.memory_space<hbm>> -> memref<1x1x1x8x128xf32, #tpu.memory_space<hbm>>
        %dma_wait3A_796 = tpu.memref_squeeze %dma_wait3A_795 : memref<1x1x1x8x128xf32, #tpu.memory_space<hbm>> -> memref<8x128xf32, #tpu.memory_space<hbm>>
        %dma_wait3A_797 = arith.constant 8 : i32
        %dma_wait3A_798 = arith.constant 0 : i32
        %dma_wait3A_799 = tpu.memref_slice %arg8[%dma_wait3A_797, %dma_wait3A_798] : memref<64x129xf32, #tpu.memory_space<vmem>> -> memref<8x128xf32, #tpu.memory_space<vmem>>
        tpu.wait_dma2 semaphore(%arg12 : memref<!tpu.dma_semaphore, #tpu.memory_space<semaphore_mem>>) src(%dma_wait3A_799 : memref<8x128xf32, #tpu.memory_space<vmem>>) dst(%dma_wait3A_796 : memref<8x128xf32, #tpu.memory_space<hbm>>)
        %dma_wait3A_800 = arith.constant 2 : i32
        %dma_wait3A_801 = arith.constant 16 : i32
        %dma_wait3A_802 = arith.constant 0 : i32
        %dma_wait3A_803 = tpu.memref_slice %arg8[%dma_wait3A_801, %dma_wait3A_802] : memref<64x129xf32, #tpu.memory_space<vmem>> -> memref<8x128xf32, #tpu.memory_space<vmem>>
        %dma_wait3A_804 = arith.constant 0 : i32
        %dma_wait3A_805 = arith.constant 0 : i32
        %dma_wait3A_806 = tpu.memref_slice %arg4[%select_n3A_753, %dma_wait3A_800, %select_n3A_769, %dma_wait3A_804, %dma_wait3A_805] : memref<200x8x32x8x128xf32, #tpu.memory_space<hbm>> -> memref<1x1x1x8x128xf32, #tpu.memory_space<hbm>>
        %dma_wait3A_807 = tpu.memref_squeeze %dma_wait3A_806 : memref<1x1x1x8x128xf32, #tpu.memory_space<hbm>> -> memref<8x128xf32, #tpu.memory_space<hbm>>
        %dma_wait3A_808 = arith.constant 0 : i32
        %dma_wait3A_809 = arith.constant 0 : i32
        %dma_wait3A_810 = tpu.memref_slice %arg4[%select_n3A_753, %dma_wait3A_800, %select_n3A_769, %dma_wait3A_808, %dma_wait3A_809] : memref<200x8x32x8x128xf32, #tpu.memory_space<hbm>> -> memref<1x1x1x8x128xf32, #tpu.memory_space<hbm>>
        %dma_wait3A_811 = tpu.memref_squeeze %dma_wait3A_810 : memref<1x1x1x8x128xf32, #tpu.memory_space<hbm>> -> memref<8x128xf32, #tpu.memory_space<hbm>>
        %dma_wait3A_812 = arith.constant 16 : i32
        %dma_wait3A_813 = arith.constant 0 : i32
        %dma_wait3A_814 = tpu.memref_slice %arg8[%dma_wait3A_812, %dma_wait3A_813] : memref<64x129xf32, #tpu.memory_space<vmem>> -> memref<8x128xf32, #tpu.memory_space<vmem>>
        tpu.wait_dma2 semaphore(%arg12 : memref<!tpu.dma_semaphore, #tpu.memory_space<semaphore_mem>>) src(%dma_wait3A_814 : memref<8x128xf32, #tpu.memory_space<vmem>>) dst(%dma_wait3A_811 : memref<8x128xf32, #tpu.memory_space<hbm>>)
        %dma_wait3A_815 = arith.constant 3 : i32
        %dma_wait3A_816 = arith.constant 24 : i32
        %dma_wait3A_817 = arith.constant 0 : i32
        %dma_wait3A_818 = tpu.memref_slice %arg8[%dma_wait3A_816, %dma_wait3A_817] : memref<64x129xf32, #tpu.memory_space<vmem>> -> memref<8x128xf32, #tpu.memory_space<vmem>>
        %dma_wait3A_819 = arith.constant 0 : i32
        %dma_wait3A_820 = arith.constant 0 : i32
        %dma_wait3A_821 = tpu.memref_slice %arg4[%select_n3A_753, %dma_wait3A_815, %select_n3A_769, %dma_wait3A_819, %dma_wait3A_820] : memref<200x8x32x8x128xf32, #tpu.memory_space<hbm>> -> memref<1x1x1x8x128xf32, #tpu.memory_space<hbm>>
        %dma_wait3A_822 = tpu.memref_squeeze %dma_wait3A_821 : memref<1x1x1x8x128xf32, #tpu.memory_space<hbm>> -> memref<8x128xf32, #tpu.memory_space<hbm>>
        %dma_wait3A_823 = arith.constant 0 : i32
        %dma_wait3A_824 = arith.constant 0 : i32
        %dma_wait3A_825 = tpu.memref_slice %arg4[%select_n3A_753, %dma_wait3A_815, %select_n3A_769, %dma_wait3A_823, %dma_wait3A_824] : memref<200x8x32x8x128xf32, #tpu.memory_space<hbm>> -> memref<1x1x1x8x128xf32, #tpu.memory_space<hbm>>
        %dma_wait3A_826 = tpu.memref_squeeze %dma_wait3A_825 : memref<1x1x1x8x128xf32, #tpu.memory_space<hbm>> -> memref<8x128xf32, #tpu.memory_space<hbm>>
        %dma_wait3A_827 = arith.constant 24 : i32
        %dma_wait3A_828 = arith.constant 0 : i32
        %dma_wait3A_829 = tpu.memref_slice %arg8[%dma_wait3A_827, %dma_wait3A_828] : memref<64x129xf32, #tpu.memory_space<vmem>> -> memref<8x128xf32, #tpu.memory_space<vmem>>
        tpu.wait_dma2 semaphore(%arg12 : memref<!tpu.dma_semaphore, #tpu.memory_space<semaphore_mem>>) src(%dma_wait3A_829 : memref<8x128xf32, #tpu.memory_space<vmem>>) dst(%dma_wait3A_826 : memref<8x128xf32, #tpu.memory_space<hbm>>)
        %dma_wait3A_830 = arith.constant 4 : i32
        %dma_wait3A_831 = arith.constant 32 : i32
        %dma_wait3A_832 = arith.constant 0 : i32
        %dma_wait3A_833 = tpu.memref_slice %arg8[%dma_wait3A_831, %dma_wait3A_832] : memref<64x129xf32, #tpu.memory_space<vmem>> -> memref<8x128xf32, #tpu.memory_space<vmem>>
        %dma_wait3A_834 = arith.constant 0 : i32
        %dma_wait3A_835 = arith.constant 0 : i32
        %dma_wait3A_836 = tpu.memref_slice %arg4[%select_n3A_753, %dma_wait3A_830, %select_n3A_769, %dma_wait3A_834, %dma_wait3A_835] : memref<200x8x32x8x128xf32, #tpu.memory_space<hbm>> -> memref<1x1x1x8x128xf32, #tpu.memory_space<hbm>>
        %dma_wait3A_837 = tpu.memref_squeeze %dma_wait3A_836 : memref<1x1x1x8x128xf32, #tpu.memory_space<hbm>> -> memref<8x128xf32, #tpu.memory_space<hbm>>
        %dma_wait3A_838 = arith.constant 0 : i32
        %dma_wait3A_839 = arith.constant 0 : i32
        %dma_wait3A_840 = tpu.memref_slice %arg4[%select_n3A_753, %dma_wait3A_830, %select_n3A_769, %dma_wait3A_838, %dma_wait3A_839] : memref<200x8x32x8x128xf32, #tpu.memory_space<hbm>> -> memref<1x1x1x8x128xf32, #tpu.memory_space<hbm>>
        %dma_wait3A_841 = tpu.memref_squeeze %dma_wait3A_840 : memref<1x1x1x8x128xf32, #tpu.memory_space<hbm>> -> memref<8x128xf32, #tpu.memory_space<hbm>>
        %dma_wait3A_842 = arith.constant 32 : i32
        %dma_wait3A_843 = arith.constant 0 : i32
        %dma_wait3A_844 = tpu.memref_slice %arg8[%dma_wait3A_842, %dma_wait3A_843] : memref<64x129xf32, #tpu.memory_space<vmem>> -> memref<8x128xf32, #tpu.memory_space<vmem>>
        tpu.wait_dma2 semaphore(%arg12 : memref<!tpu.dma_semaphore, #tpu.memory_space<semaphore_mem>>) src(%dma_wait3A_844 : memref<8x128xf32, #tpu.memory_space<vmem>>) dst(%dma_wait3A_841 : memref<8x128xf32, #tpu.memory_space<hbm>>)
        %dma_wait3A_845 = arith.constant 5 : i32
        %dma_wait3A_846 = arith.constant 40 : i32
        %dma_wait3A_847 = arith.constant 0 : i32
        %dma_wait3A_848 = tpu.memref_slice %arg8[%dma_wait3A_846, %dma_wait3A_847] : memref<64x129xf32, #tpu.memory_space<vmem>> -> memref<8x128xf32, #tpu.memory_space<vmem>>
        %dma_wait3A_849 = arith.constant 0 : i32
        %dma_wait3A_850 = arith.constant 0 : i32
        %dma_wait3A_851 = tpu.memref_slice %arg4[%select_n3A_753, %dma_wait3A_845, %select_n3A_769, %dma_wait3A_849, %dma_wait3A_850] : memref<200x8x32x8x128xf32, #tpu.memory_space<hbm>> -> memref<1x1x1x8x128xf32, #tpu.memory_space<hbm>>
        %dma_wait3A_852 = tpu.memref_squeeze %dma_wait3A_851 : memref<1x1x1x8x128xf32, #tpu.memory_space<hbm>> -> memref<8x128xf32, #tpu.memory_space<hbm>>
        %dma_wait3A_853 = arith.constant 0 : i32
        %dma_wait3A_854 = arith.constant 0 : i32
        %dma_wait3A_855 = tpu.memref_slice %arg4[%select_n3A_753, %dma_wait3A_845, %select_n3A_769, %dma_wait3A_853, %dma_wait3A_854] : memref<200x8x32x8x128xf32, #tpu.memory_space<hbm>> -> memref<1x1x1x8x128xf32, #tpu.memory_space<hbm>>
        %dma_wait3A_856 = tpu.memref_squeeze %dma_wait3A_855 : memref<1x1x1x8x128xf32, #tpu.memory_space<hbm>> -> memref<8x128xf32, #tpu.memory_space<hbm>>
        %dma_wait3A_857 = arith.constant 40 : i32
        %dma_wait3A_858 = arith.constant 0 : i32
        %dma_wait3A_859 = tpu.memref_slice %arg8[%dma_wait3A_857, %dma_wait3A_858] : memref<64x129xf32, #tpu.memory_space<vmem>> -> memref<8x128xf32, #tpu.memory_space<vmem>>
        tpu.wait_dma2 semaphore(%arg12 : memref<!tpu.dma_semaphore, #tpu.memory_space<semaphore_mem>>) src(%dma_wait3A_859 : memref<8x128xf32, #tpu.memory_space<vmem>>) dst(%dma_wait3A_856 : memref<8x128xf32, #tpu.memory_space<hbm>>)
        %dma_wait3A_860 = arith.constant 6 : i32
        %dma_wait3A_861 = arith.constant 48 : i32
        %dma_wait3A_862 = arith.constant 0 : i32
        %dma_wait3A_863 = tpu.memref_slice %arg8[%dma_wait3A_861, %dma_wait3A_862] : memref<64x129xf32, #tpu.memory_space<vmem>> -> memref<8x128xf32, #tpu.memory_space<vmem>>
        %dma_wait3A_864 = arith.constant 0 : i32
        %dma_wait3A_865 = arith.constant 0 : i32
        %dma_wait3A_866 = tpu.memref_slice %arg4[%select_n3A_753, %dma_wait3A_860, %select_n3A_769, %dma_wait3A_864, %dma_wait3A_865] : memref<200x8x32x8x128xf32, #tpu.memory_space<hbm>> -> memref<1x1x1x8x128xf32, #tpu.memory_space<hbm>>
        %dma_wait3A_867 = tpu.memref_squeeze %dma_wait3A_866 : memref<1x1x1x8x128xf32, #tpu.memory_space<hbm>> -> memref<8x128xf32, #tpu.memory_space<hbm>>
        %dma_wait3A_868 = arith.constant 0 : i32
        %dma_wait3A_869 = arith.constant 0 : i32
        %dma_wait3A_870 = tpu.memref_slice %arg4[%select_n3A_753, %dma_wait3A_860, %select_n3A_769, %dma_wait3A_868, %dma_wait3A_869] : memref<200x8x32x8x128xf32, #tpu.memory_space<hbm>> -> memref<1x1x1x8x128xf32, #tpu.memory_space<hbm>>
        %dma_wait3A_871 = tpu.memref_squeeze %dma_wait3A_870 : memref<1x1x1x8x128xf32, #tpu.memory_space<hbm>> -> memref<8x128xf32, #tpu.memory_space<hbm>>
        %dma_wait3A_872 = arith.constant 48 : i32
        %dma_wait3A_873 = arith.constant 0 : i32
        %dma_wait3A_874 = tpu.memref_slice %arg8[%dma_wait3A_872, %dma_wait3A_873] : memref<64x129xf32, #tpu.memory_space<vmem>> -> memref<8x128xf32, #tpu.memory_space<vmem>>
        tpu.wait_dma2 semaphore(%arg12 : memref<!tpu.dma_semaphore, #tpu.memory_space<semaphore_mem>>) src(%dma_wait3A_874 : memref<8x128xf32, #tpu.memory_space<vmem>>) dst(%dma_wait3A_871 : memref<8x128xf32, #tpu.memory_space<hbm>>)
        %dma_wait3A_875 = arith.constant 7 : i32
        %dma_wait3A_876 = arith.constant 56 : i32
        %dma_wait3A_877 = arith.constant 0 : i32
        %dma_wait3A_878 = tpu.memref_slice %arg8[%dma_wait3A_876, %dma_wait3A_877] : memref<64x129xf32, #tpu.memory_space<vmem>> -> memref<8x128xf32, #tpu.memory_space<vmem>>
        %dma_wait3A_879 = arith.constant 0 : i32
        %dma_wait3A_880 = arith.constant 0 : i32
        %dma_wait3A_881 = tpu.memref_slice %arg4[%select_n3A_753, %dma_wait3A_875, %select_n3A_769, %dma_wait3A_879, %dma_wait3A_880] : memref<200x8x32x8x128xf32, #tpu.memory_space<hbm>> -> memref<1x1x1x8x128xf32, #tpu.memory_space<hbm>>
        %dma_wait3A_882 = tpu.memref_squeeze %dma_wait3A_881 : memref<1x1x1x8x128xf32, #tpu.memory_space<hbm>> -> memref<8x128xf32, #tpu.memory_space<hbm>>
        %dma_wait3A_883 = arith.constant 0 : i32
        %dma_wait3A_884 = arith.constant 0 : i32
        %dma_wait3A_885 = tpu.memref_slice %arg4[%select_n3A_753, %dma_wait3A_875, %select_n3A_769, %dma_wait3A_883, %dma_wait3A_884] : memref<200x8x32x8x128xf32, #tpu.memory_space<hbm>> -> memref<1x1x1x8x128xf32, #tpu.memory_space<hbm>>
        %dma_wait3A_886 = tpu.memref_squeeze %dma_wait3A_885 : memref<1x1x1x8x128xf32, #tpu.memory_space<hbm>> -> memref<8x128xf32, #tpu.memory_space<hbm>>
        %dma_wait3A_887 = arith.constant 56 : i32
        %dma_wait3A_888 = arith.constant 0 : i32
        %dma_wait3A_889 = tpu.memref_slice %arg8[%dma_wait3A_887, %dma_wait3A_888] : memref<64x129xf32, #tpu.memory_space<vmem>> -> memref<8x128xf32, #tpu.memory_space<vmem>>
        tpu.wait_dma2 semaphore(%arg12 : memref<!tpu.dma_semaphore, #tpu.memory_space<semaphore_mem>>) src(%dma_wait3A_889 : memref<8x128xf32, #tpu.memory_space<vmem>>) dst(%dma_wait3A_886 : memref<8x128xf32, #tpu.memory_space<hbm>>)
      } else {
      }
      %add3A_346 = arith.addi %mul3A_4, %mul3A_329 : i32
      %jit3A_347 = arith.constant 32 : i32
      %div3A_348 = arith.divsi %add3A_346, %jit3A_347 : i32
      %sign3A_349 = arith.constant 0 : i32
      %sign3A_350 = arith.cmpi sgt, %add3A_346, %sign3A_349 : i32
      %sign3A_351 = arith.extui %sign3A_350 : i1 to i32
      %sign3A_352 = arith.constant 0 : i32
      %sign3A_353 = arith.cmpi slt, %add3A_346, %sign3A_352 : i32
      %sign3A_354 = arith.extui %sign3A_353 : i1 to i32
      %sign3A_355 = arith.subi %sign3A_351, %sign3A_354 : i32
      %sign3A_356 = arith.constant 0 : i32
      %sign3A_357 = arith.cmpi sgt, %jit3A_347, %sign3A_356 : i32
      %sign3A_358 = arith.extui %sign3A_357 : i1 to i32
      %sign3A_359 = arith.constant 0 : i32
      %sign3A_360 = arith.cmpi slt, %jit3A_347, %sign3A_359 : i32
      %sign3A_361 = arith.extui %sign3A_360 : i1 to i32
      %sign3A_362 = arith.subi %sign3A_358, %sign3A_361 : i32
      %ne3A_363 = arith.cmpi ne, %sign3A_355, %sign3A_362 : i32
      %rem3A_364 = arith.remsi %add3A_346, %jit3A_347 : i32
      %ne3A_365 = arith.constant 0 : i32
      %ne3A_366 = arith.cmpi ne, %rem3A_364, %ne3A_365 : i32
      %and3A_367 = arith.andi %ne3A_363, %ne3A_366 : i1
      %sub3A_368 = arith.constant 1 : i32
      %sub3A_369 = arith.subi %div3A_348, %sub3A_368 : i32
      %select_n3A_370 = arith.select %and3A_367, %sub3A_369, %div3A_348 : i32
      %jit3A_371 = arith.constant 32 : i32
      %eq3A_372 = arith.constant 0 : i32
      %eq3A_373 = arith.cmpi eq, %jit3A_371, %eq3A_372 : i32
      %jit3A_374 = arith.constant 1 : i32
      %select_n3A_375 = arith.select %eq3A_373, %jit3A_374, %jit3A_371 : i32
      %rem3A_376 = arith.remsi %add3A_346, %select_n3A_375 : i32
      %ne3A_377 = arith.constant 0 : i32
      %ne3A_378 = arith.cmpi ne, %rem3A_376, %ne3A_377 : i32
      %lt3A_379 = arith.constant 0 : i32
      %lt3A_380 = arith.cmpi slt, %rem3A_376, %lt3A_379 : i32
      %lt3A_381 = arith.constant 0 : i32
      %lt3A_382 = arith.cmpi slt, %select_n3A_375, %lt3A_381 : i32
      %ne3A_383 = arith.xori %lt3A_380, %lt3A_382 : i1
      %and3A_384 = arith.andi %ne3A_383, %ne3A_378 : i1
      %add3A_385 = arith.addi %rem3A_376, %select_n3A_375 : i32
      %select_n3A_386 = arith.select %and3A_384, %add3A_385, %rem3A_376 : i32
      %iota3A = tpu.iota {dimensions = array<i32: 0>} : vector<16xi32>
      %add3A_387 = arith.constant 0 : i32
      %add3A_388 = vector.broadcast %add3A_387 : i32 to vector<16xi32>
      %add3A_389 = arith.addi %iota3A, %add3A_388 : vector<16xi32>
      %add3A_390 = arith.constant 16 : i32
      %add3A_391 = vector.broadcast %add3A_390 : i32 to vector<16xi32>
      %add3A_392 = arith.addi %iota3A, %add3A_391 : vector<16xi32>
      %add3A_393 = arith.constant 32 : i32
      %add3A_394 = vector.broadcast %add3A_393 : i32 to vector<16xi32>
      %add3A_395 = arith.addi %iota3A, %add3A_394 : vector<16xi32>
      %add3A_396 = arith.constant 48 : i32
      %add3A_397 = vector.broadcast %add3A_396 : i32 to vector<16xi32>
      %add3A_398 = arith.addi %iota3A, %add3A_397 : vector<16xi32>
      %mul3A_399 = arith.constant 0 : i32
      %mul3A_400 = vector.broadcast %mul3A_399 : i32 to vector<16xi32>
      %mul3A_401 = arith.muli %iota3A, %mul3A_400 : vector<16xi32>
      %scan3A_402 = arith.constant 0 : i32
      %scan3A_403 = arith.constant 128 : i32
      %scan3A_404 = arith.addi %scan3A_402, %scan3A_403 : i32
      %scan3A_405 = arith.constant 4 : i32
      %scan3A_406 = scf.for %scan3A_727 = %scan3A_402 to %scan3A_404 step %scan3A_405 iter_args(%scan3A_728 = %mul3A_401) -> (vector<16xi32>)  : i32 {
        %get3A = arith.index_cast %scan3A_727 : i32 to index
        %get3A_729 = arith.constant 0 : index
        %get3A_730 = tpu.vector_load %arg6[%get3A, %get3A_729] {strides = array<i32>} : memref<128x64xf32, #tpu.memory_space<vmem>>, vector<16xf32>,
        tpu.vector_store_idx %arg8[%add3A_389, %scan3A_728], %get3A_730 : memref<64x129xf32, #tpu.memory_space<vmem>>[vector<16xi32>, vector<16xi32>], vector<16xf32>,
        %get3A_731 = arith.index_cast %scan3A_727 : i32 to index
        %get3A_732 = arith.constant 16 : index
        %get3A_733 = tpu.vector_load %arg6[%get3A_731, %get3A_732] {strides = array<i32>} : memref<128x64xf32, #tpu.memory_space<vmem>>, vector<16xf32>,
        tpu.vector_store_idx %arg8[%add3A_392, %scan3A_728], %get3A_733 : memref<64x129xf32, #tpu.memory_space<vmem>>[vector<16xi32>, vector<16xi32>], vector<16xf32>,
        %get3A_734 = arith.index_cast %scan3A_727 : i32 to index
        %get3A_735 = arith.constant 32 : index
        %get3A_736 = tpu.vector_load %arg6[%get3A_734, %get3A_735] {strides = array<i32>} : memref<128x64xf32, #tpu.memory_space<vmem>>, vector<16xf32>,
        tpu.vector_store_idx %arg8[%add3A_395, %scan3A_728], %get3A_736 : memref<64x129xf32, #tpu.memory_space<vmem>>[vector<16xi32>, vector<16xi32>], vector<16xf32>,
        %get3A_737 = arith.index_cast %scan3A_727 : i32 to index
        %get3A_738 = arith.constant 48 : index
        %get3A_739 = tpu.vector_load %arg6[%get3A_737, %get3A_738] {strides = array<i32>} : memref<128x64xf32, #tpu.memory_space<vmem>>, vector<16xf32>,
        tpu.vector_store_idx %arg8[%add3A_398, %scan3A_728], %get3A_739 : memref<64x129xf32, #tpu.memory_space<vmem>>[vector<16xi32>, vector<16xi32>], vector<16xf32>,
        %add3A_740 = arith.constant 1 : i32
        %add3A_741 = vector.broadcast %add3A_740 : i32 to vector<16xi32>
        %add3A_742 = arith.addi %scan3A_728, %add3A_741 : vector<16xi32>
        %scan3A_743 = arith.constant 1 : i32
        %scan3A_744 = arith.addi %scan3A_727, %scan3A_743 : i32
        %get3A_745 = arith.index_cast %scan3A_744 : i32 to index
        %get3A_746 = arith.constant 0 : index
        %get3A_747 = tpu.vector_load %arg6[%get3A_745, %get3A_746] {strides = array<i32>} : memref<128x64xf32, #tpu.memory_space<vmem>>, vector<16xf32>,
        tpu.vector_store_idx %arg8[%add3A_389, %add3A_742], %get3A_747 : memref<64x129xf32, #tpu.memory_space<vmem>>[vector<16xi32>, vector<16xi32>], vector<16xf32>,
        %get3A_748 = arith.index_cast %scan3A_744 : i32 to index
        %get3A_749 = arith.constant 16 : index
        %get3A_750 = tpu.vector_load %arg6[%get3A_748, %get3A_749] {strides = array<i32>} : memref<128x64xf32, #tpu.memory_space<vmem>>, vector<16xf32>,
        tpu.vector_store_idx %arg8[%add3A_392, %add3A_742], %get3A_750 : memref<64x129xf32, #tpu.memory_space<vmem>>[vector<16xi32>, vector<16xi32>], vector<16xf32>,
        %get3A_751 = arith.index_cast %scan3A_744 : i32 to index
        %get3A_752 = arith.constant 32 : index
        %get3A_753 = tpu.vector_load %arg6[%get3A_751, %get3A_752] {strides = array<i32>} : memref<128x64xf32, #tpu.memory_space<vmem>>, vector<16xf32>,
        tpu.vector_store_idx %arg8[%add3A_395, %add3A_742], %get3A_753 : memref<64x129xf32, #tpu.memory_space<vmem>>[vector<16xi32>, vector<16xi32>], vector<16xf32>,
        %get3A_754 = arith.index_cast %scan3A_744 : i32 to index
        %get3A_755 = arith.constant 48 : index
        %get3A_756 = tpu.vector_load %arg6[%get3A_754, %get3A_755] {strides = array<i32>} : memref<128x64xf32, #tpu.memory_space<vmem>>, vector<16xf32>,
        tpu.vector_store_idx %arg8[%add3A_398, %add3A_742], %get3A_756 : memref<64x129xf32, #tpu.memory_space<vmem>>[vector<16xi32>, vector<16xi32>], vector<16xf32>,
        %add3A_757 = arith.constant 1 : i32
        %add3A_758 = vector.broadcast %add3A_757 : i32 to vector<16xi32>
        %add3A_759 = arith.addi %add3A_742, %add3A_758 : vector<16xi32>
        %scan3A_760 = arith.constant 2 : i32
        %scan3A_761 = arith.addi %scan3A_727, %scan3A_760 : i32
        %get3A_762 = arith.index_cast %scan3A_761 : i32 to index
        %get3A_763 = arith.constant 0 : index
        %get3A_764 = tpu.vector_load %arg6[%get3A_762, %get3A_763] {strides = array<i32>} : memref<128x64xf32, #tpu.memory_space<vmem>>, vector<16xf32>,
        tpu.vector_store_idx %arg8[%add3A_389, %add3A_759], %get3A_764 : memref<64x129xf32, #tpu.memory_space<vmem>>[vector<16xi32>, vector<16xi32>], vector<16xf32>,
        %get3A_765 = arith.index_cast %scan3A_761 : i32 to index
        %get3A_766 = arith.constant 16 : index
        %get3A_767 = tpu.vector_load %arg6[%get3A_765, %get3A_766] {strides = array<i32>} : memref<128x64xf32, #tpu.memory_space<vmem>>, vector<16xf32>,
        tpu.vector_store_idx %arg8[%add3A_392, %add3A_759], %get3A_767 : memref<64x129xf32, #tpu.memory_space<vmem>>[vector<16xi32>, vector<16xi32>], vector<16xf32>,
        %get3A_768 = arith.index_cast %scan3A_761 : i32 to index
        %get3A_769 = arith.constant 32 : index
        %get3A_770 = tpu.vector_load %arg6[%get3A_768, %get3A_769] {strides = array<i32>} : memref<128x64xf32, #tpu.memory_space<vmem>>, vector<16xf32>,
        tpu.vector_store_idx %arg8[%add3A_395, %add3A_759], %get3A_770 : memref<64x129xf32, #tpu.memory_space<vmem>>[vector<16xi32>, vector<16xi32>], vector<16xf32>,
        %get3A_771 = arith.index_cast %scan3A_761 : i32 to index
        %get3A_772 = arith.constant 48 : index
        %get3A_773 = tpu.vector_load %arg6[%get3A_771, %get3A_772] {strides = array<i32>} : memref<128x64xf32, #tpu.memory_space<vmem>>, vector<16xf32>,
        tpu.vector_store_idx %arg8[%add3A_398, %add3A_759], %get3A_773 : memref<64x129xf32, #tpu.memory_space<vmem>>[vector<16xi32>, vector<16xi32>], vector<16xf32>,
        %add3A_774 = arith.constant 1 : i32
        %add3A_775 = vector.broadcast %add3A_774 : i32 to vector<16xi32>
        %add3A_776 = arith.addi %add3A_759, %add3A_775 : vector<16xi32>
        %scan3A_777 = arith.constant 3 : i32
        %scan3A_778 = arith.addi %scan3A_727, %scan3A_777 : i32
        %get3A_779 = arith.index_cast %scan3A_778 : i32 to index
        %get3A_780 = arith.constant 0 : index
        %get3A_781 = tpu.vector_load %arg6[%get3A_779, %get3A_780] {strides = array<i32>} : memref<128x64xf32, #tpu.memory_space<vmem>>, vector<16xf32>,
        tpu.vector_store_idx %arg8[%add3A_389, %add3A_776], %get3A_781 : memref<64x129xf32, #tpu.memory_space<vmem>>[vector<16xi32>, vector<16xi32>], vector<16xf32>,
        %get3A_782 = arith.index_cast %scan3A_778 : i32 to index
        %get3A_783 = arith.constant 16 : index
        %get3A_784 = tpu.vector_load %arg6[%get3A_782, %get3A_783] {strides = array<i32>} : memref<128x64xf32, #tpu.memory_space<vmem>>, vector<16xf32>,
        tpu.vector_store_idx %arg8[%add3A_392, %add3A_776], %get3A_784 : memref<64x129xf32, #tpu.memory_space<vmem>>[vector<16xi32>, vector<16xi32>], vector<16xf32>,
        %get3A_785 = arith.index_cast %scan3A_778 : i32 to index
        %get3A_786 = arith.constant 32 : index
        %get3A_787 = tpu.vector_load %arg6[%get3A_785, %get3A_786] {strides = array<i32>} : memref<128x64xf32, #tpu.memory_space<vmem>>, vector<16xf32>,
        tpu.vector_store_idx %arg8[%add3A_395, %add3A_776], %get3A_787 : memref<64x129xf32, #tpu.memory_space<vmem>>[vector<16xi32>, vector<16xi32>], vector<16xf32>,
        %get3A_788 = arith.index_cast %scan3A_778 : i32 to index
        %get3A_789 = arith.constant 48 : index
        %get3A_790 = tpu.vector_load %arg6[%get3A_788, %get3A_789] {strides = array<i32>} : memref<128x64xf32, #tpu.memory_space<vmem>>, vector<16xf32>,
        tpu.vector_store_idx %arg8[%add3A_398, %add3A_776], %get3A_790 : memref<64x129xf32, #tpu.memory_space<vmem>>[vector<16xi32>, vector<16xi32>], vector<16xf32>,
        %add3A_791 = arith.constant 1 : i32
        %add3A_792 = vector.broadcast %add3A_791 : i32 to vector<16xi32>
        %add3A_793 = arith.addi %add3A_776, %add3A_792 : vector<16xi32>
        scf.yield %add3A_793 : vector<16xi32>
      }
      %scan3A_407 = arith.constant 128 : i32
      %dma_start3A_408 = arith.constant 0 : i32
      %dma_start3A_409 = arith.constant 0 : i32
      %dma_start3A_410 = arith.constant 0 : i32
      %dma_start3A_411 = tpu.memref_slice %arg8[%dma_start3A_409, %dma_start3A_410] : memref<64x129xf32, #tpu.memory_space<vmem>> -> memref<8x128xf32, #tpu.memory_space<vmem>>
      %dma_start3A_412 = arith.constant 0 : i32
      %dma_start3A_413 = arith.constant 0 : i32
      %dma_start3A_414 = tpu.memref_slice %arg4[%select_n3A_370, %dma_start3A_408, %select_n3A_386, %dma_start3A_412, %dma_start3A_413] : memref<200x8x32x8x128xf32, #tpu.memory_space<hbm>> -> memref<1x1x1x8x128xf32, #tpu.memory_space<hbm>>
      %dma_start3A_415 = tpu.memref_squeeze %dma_start3A_414 : memref<1x1x1x8x128xf32, #tpu.memory_space<hbm>> -> memref<8x128xf32, #tpu.memory_space<hbm>>
      %dma_start3A_416 = arith.constant 0 : i32
      %dma_start3A_417 = arith.constant 0 : i32
      %dma_start3A_418 = tpu.memref_slice %arg4[%select_n3A_370, %dma_start3A_408, %select_n3A_386, %dma_start3A_416, %dma_start3A_417] : memref<200x8x32x8x128xf32, #tpu.memory_space<hbm>> -> memref<1x1x1x8x128xf32, #tpu.memory_space<hbm>>
      %dma_start3A_419 = tpu.memref_squeeze %dma_start3A_418 : memref<1x1x1x8x128xf32, #tpu.memory_space<hbm>> -> memref<8x128xf32, #tpu.memory_space<hbm>>
      %dma_start3A_420 = arith.constant 0 : i32
      %dma_start3A_421 = arith.constant 0 : i32
      %dma_start3A_422 = tpu.memref_slice %arg8[%dma_start3A_420, %dma_start3A_421] : memref<64x129xf32, #tpu.memory_space<vmem>> -> memref<8x128xf32, #tpu.memory_space<vmem>>
      tpu.enqueue_dma source(%dma_start3A_422 : memref<8x128xf32, #tpu.memory_space<vmem>>) target(%dma_start3A_419 : memref<8x128xf32, #tpu.memory_space<hbm>>) target_semaphore(%arg12 : memref<!tpu.dma_semaphore, #tpu.memory_space<semaphore_mem>>)
      %dma_start3A_423 = arith.constant 1 : i32
      %dma_start3A_424 = arith.constant 8 : i32
      %dma_start3A_425 = arith.constant 0 : i32
      %dma_start3A_426 = tpu.memref_slice %arg8[%dma_start3A_424, %dma_start3A_425] : memref<64x129xf32, #tpu.memory_space<vmem>> -> memref<8x128xf32, #tpu.memory_space<vmem>>
      %dma_start3A_427 = arith.constant 0 : i32
      %dma_start3A_428 = arith.constant 0 : i32
      %dma_start3A_429 = tpu.memref_slice %arg4[%select_n3A_370, %dma_start3A_423, %select_n3A_386, %dma_start3A_427, %dma_start3A_428] : memref<200x8x32x8x128xf32, #tpu.memory_space<hbm>> -> memref<1x1x1x8x128xf32, #tpu.memory_space<hbm>>
      %dma_start3A_430 = tpu.memref_squeeze %dma_start3A_429 : memref<1x1x1x8x128xf32, #tpu.memory_space<hbm>> -> memref<8x128xf32, #tpu.memory_space<hbm>>
      %dma_start3A_431 = arith.constant 0 : i32
      %dma_start3A_432 = arith.constant 0 : i32
      %dma_start3A_433 = tpu.memref_slice %arg4[%select_n3A_370, %dma_start3A_423, %select_n3A_386, %dma_start3A_431, %dma_start3A_432] : memref<200x8x32x8x128xf32, #tpu.memory_space<hbm>> -> memref<1x1x1x8x128xf32, #tpu.memory_space<hbm>>
      %dma_start3A_434 = tpu.memref_squeeze %dma_start3A_433 : memref<1x1x1x8x128xf32, #tpu.memory_space<hbm>> -> memref<8x128xf32, #tpu.memory_space<hbm>>
      %dma_start3A_435 = arith.constant 8 : i32
      %dma_start3A_436 = arith.constant 0 : i32
      %dma_start3A_437 = tpu.memref_slice %arg8[%dma_start3A_435, %dma_start3A_436] : memref<64x129xf32, #tpu.memory_space<vmem>> -> memref<8x128xf32, #tpu.memory_space<vmem>>
      tpu.enqueue_dma source(%dma_start3A_437 : memref<8x128xf32, #tpu.memory_space<vmem>>) target(%dma_start3A_434 : memref<8x128xf32, #tpu.memory_space<hbm>>) target_semaphore(%arg12 : memref<!tpu.dma_semaphore, #tpu.memory_space<semaphore_mem>>)
      %dma_start3A_438 = arith.constant 2 : i32
      %dma_start3A_439 = arith.constant 16 : i32
      %dma_start3A_440 = arith.constant 0 : i32
      %dma_start3A_441 = tpu.memref_slice %arg8[%dma_start3A_439, %dma_start3A_440] : memref<64x129xf32, #tpu.memory_space<vmem>> -> memref<8x128xf32, #tpu.memory_space<vmem>>
      %dma_start3A_442 = arith.constant 0 : i32
      %dma_start3A_443 = arith.constant 0 : i32
      %dma_start3A_444 = tpu.memref_slice %arg4[%select_n3A_370, %dma_start3A_438, %select_n3A_386, %dma_start3A_442, %dma_start3A_443] : memref<200x8x32x8x128xf32, #tpu.memory_space<hbm>> -> memref<1x1x1x8x128xf32, #tpu.memory_space<hbm>>
      %dma_start3A_445 = tpu.memref_squeeze %dma_start3A_444 : memref<1x1x1x8x128xf32, #tpu.memory_space<hbm>> -> memref<8x128xf32, #tpu.memory_space<hbm>>
      %dma_start3A_446 = arith.constant 0 : i32
      %dma_start3A_447 = arith.constant 0 : i32
      %dma_start3A_448 = tpu.memref_slice %arg4[%select_n3A_370, %dma_start3A_438, %select_n3A_386, %dma_start3A_446, %dma_start3A_447] : memref<200x8x32x8x128xf32, #tpu.memory_space<hbm>> -> memref<1x1x1x8x128xf32, #tpu.memory_space<hbm>>
      %dma_start3A_449 = tpu.memref_squeeze %dma_start3A_448 : memref<1x1x1x8x128xf32, #tpu.memory_space<hbm>> -> memref<8x128xf32, #tpu.memory_space<hbm>>
      %dma_start3A_450 = arith.constant 16 : i32
      %dma_start3A_451 = arith.constant 0 : i32
      %dma_start3A_452 = tpu.memref_slice %arg8[%dma_start3A_450, %dma_start3A_451] : memref<64x129xf32, #tpu.memory_space<vmem>> -> memref<8x128xf32, #tpu.memory_space<vmem>>
      tpu.enqueue_dma source(%dma_start3A_452 : memref<8x128xf32, #tpu.memory_space<vmem>>) target(%dma_start3A_449 : memref<8x128xf32, #tpu.memory_space<hbm>>) target_semaphore(%arg12 : memref<!tpu.dma_semaphore, #tpu.memory_space<semaphore_mem>>)
      %dma_start3A_453 = arith.constant 3 : i32
      %dma_start3A_454 = arith.constant 24 : i32
      %dma_start3A_455 = arith.constant 0 : i32
      %dma_start3A_456 = tpu.memref_slice %arg8[%dma_start3A_454, %dma_start3A_455] : memref<64x129xf32, #tpu.memory_space<vmem>> -> memref<8x128xf32, #tpu.memory_space<vmem>>
      %dma_start3A_457 = arith.constant 0 : i32
      %dma_start3A_458 = arith.constant 0 : i32
      %dma_start3A_459 = tpu.memref_slice %arg4[%select_n3A_370, %dma_start3A_453, %select_n3A_386, %dma_start3A_457, %dma_start3A_458] : memref<200x8x32x8x128xf32, #tpu.memory_space<hbm>> -> memref<1x1x1x8x128xf32, #tpu.memory_space<hbm>>
      %dma_start3A_460 = tpu.memref_squeeze %dma_start3A_459 : memref<1x1x1x8x128xf32, #tpu.memory_space<hbm>> -> memref<8x128xf32, #tpu.memory_space<hbm>>
      %dma_start3A_461 = arith.constant 0 : i32
      %dma_start3A_462 = arith.constant 0 : i32
      %dma_start3A_463 = tpu.memref_slice %arg4[%select_n3A_370, %dma_start3A_453, %select_n3A_386, %dma_start3A_461, %dma_start3A_462] : memref<200x8x32x8x128xf32, #tpu.memory_space<hbm>> -> memref<1x1x1x8x128xf32, #tpu.memory_space<hbm>>
      %dma_start3A_464 = tpu.memref_squeeze %dma_start3A_463 : memref<1x1x1x8x128xf32, #tpu.memory_space<hbm>> -> memref<8x128xf32, #tpu.memory_space<hbm>>
      %dma_start3A_465 = arith.constant 24 : i32
      %dma_start3A_466 = arith.constant 0 : i32
      %dma_start3A_467 = tpu.memref_slice %arg8[%dma_start3A_465, %dma_start3A_466] : memref<64x129xf32, #tpu.memory_space<vmem>> -> memref<8x128xf32, #tpu.memory_space<vmem>>
      tpu.enqueue_dma source(%dma_start3A_467 : memref<8x128xf32, #tpu.memory_space<vmem>>) target(%dma_start3A_464 : memref<8x128xf32, #tpu.memory_space<hbm>>) target_semaphore(%arg12 : memref<!tpu.dma_semaphore, #tpu.memory_space<semaphore_mem>>)
      %dma_start3A_468 = arith.constant 4 : i32
      %dma_start3A_469 = arith.constant 32 : i32
      %dma_start3A_470 = arith.constant 0 : i32
      %dma_start3A_471 = tpu.memref_slice %arg8[%dma_start3A_469, %dma_start3A_470] : memref<64x129xf32, #tpu.memory_space<vmem>> -> memref<8x128xf32, #tpu.memory_space<vmem>>
      %dma_start3A_472 = arith.constant 0 : i32
      %dma_start3A_473 = arith.constant 0 : i32
      %dma_start3A_474 = tpu.memref_slice %arg4[%select_n3A_370, %dma_start3A_468, %select_n3A_386, %dma_start3A_472, %dma_start3A_473] : memref<200x8x32x8x128xf32, #tpu.memory_space<hbm>> -> memref<1x1x1x8x128xf32, #tpu.memory_space<hbm>>
      %dma_start3A_475 = tpu.memref_squeeze %dma_start3A_474 : memref<1x1x1x8x128xf32, #tpu.memory_space<hbm>> -> memref<8x128xf32, #tpu.memory_space<hbm>>
      %dma_start3A_476 = arith.constant 0 : i32
      %dma_start3A_477 = arith.constant 0 : i32
      %dma_start3A_478 = tpu.memref_slice %arg4[%select_n3A_370, %dma_start3A_468, %select_n3A_386, %dma_start3A_476, %dma_start3A_477] : memref<200x8x32x8x128xf32, #tpu.memory_space<hbm>> -> memref<1x1x1x8x128xf32, #tpu.memory_space<hbm>>
      %dma_start3A_479 = tpu.memref_squeeze %dma_start3A_478 : memref<1x1x1x8x128xf32, #tpu.memory_space<hbm>> -> memref<8x128xf32, #tpu.memory_space<hbm>>
      %dma_start3A_480 = arith.constant 32 : i32
      %dma_start3A_481 = arith.constant 0 : i32
      %dma_start3A_482 = tpu.memref_slice %arg8[%dma_start3A_480, %dma_start3A_481] : memref<64x129xf32, #tpu.memory_space<vmem>> -> memref<8x128xf32, #tpu.memory_space<vmem>>
      tpu.enqueue_dma source(%dma_start3A_482 : memref<8x128xf32, #tpu.memory_space<vmem>>) target(%dma_start3A_479 : memref<8x128xf32, #tpu.memory_space<hbm>>) target_semaphore(%arg12 : memref<!tpu.dma_semaphore, #tpu.memory_space<semaphore_mem>>)
      %dma_start3A_483 = arith.constant 5 : i32
      %dma_start3A_484 = arith.constant 40 : i32
      %dma_start3A_485 = arith.constant 0 : i32
      %dma_start3A_486 = tpu.memref_slice %arg8[%dma_start3A_484, %dma_start3A_485] : memref<64x129xf32, #tpu.memory_space<vmem>> -> memref<8x128xf32, #tpu.memory_space<vmem>>
      %dma_start3A_487 = arith.constant 0 : i32
      %dma_start3A_488 = arith.constant 0 : i32
      %dma_start3A_489 = tpu.memref_slice %arg4[%select_n3A_370, %dma_start3A_483, %select_n3A_386, %dma_start3A_487, %dma_start3A_488] : memref<200x8x32x8x128xf32, #tpu.memory_space<hbm>> -> memref<1x1x1x8x128xf32, #tpu.memory_space<hbm>>
      %dma_start3A_490 = tpu.memref_squeeze %dma_start3A_489 : memref<1x1x1x8x128xf32, #tpu.memory_space<hbm>> -> memref<8x128xf32, #tpu.memory_space<hbm>>
      %dma_start3A_491 = arith.constant 0 : i32
      %dma_start3A_492 = arith.constant 0 : i32
      %dma_start3A_493 = tpu.memref_slice %arg4[%select_n3A_370, %dma_start3A_483, %select_n3A_386, %dma_start3A_491, %dma_start3A_492] : memref<200x8x32x8x128xf32, #tpu.memory_space<hbm>> -> memref<1x1x1x8x128xf32, #tpu.memory_space<hbm>>
      %dma_start3A_494 = tpu.memref_squeeze %dma_start3A_493 : memref<1x1x1x8x128xf32, #tpu.memory_space<hbm>> -> memref<8x128xf32, #tpu.memory_space<hbm>>
      %dma_start3A_495 = arith.constant 40 : i32
      %dma_start3A_496 = arith.constant 0 : i32
      %dma_start3A_497 = tpu.memref_slice %arg8[%dma_start3A_495, %dma_start3A_496] : memref<64x129xf32, #tpu.memory_space<vmem>> -> memref<8x128xf32, #tpu.memory_space<vmem>>
      tpu.enqueue_dma source(%dma_start3A_497 : memref<8x128xf32, #tpu.memory_space<vmem>>) target(%dma_start3A_494 : memref<8x128xf32, #tpu.memory_space<hbm>>) target_semaphore(%arg12 : memref<!tpu.dma_semaphore, #tpu.memory_space<semaphore_mem>>)
      %dma_start3A_498 = arith.constant 6 : i32
      %dma_start3A_499 = arith.constant 48 : i32
      %dma_start3A_500 = arith.constant 0 : i32
      %dma_start3A_501 = tpu.memref_slice %arg8[%dma_start3A_499, %dma_start3A_500] : memref<64x129xf32, #tpu.memory_space<vmem>> -> memref<8x128xf32, #tpu.memory_space<vmem>>
      %dma_start3A_502 = arith.constant 0 : i32
      %dma_start3A_503 = arith.constant 0 : i32
      %dma_start3A_504 = tpu.memref_slice %arg4[%select_n3A_370, %dma_start3A_498, %select_n3A_386, %dma_start3A_502, %dma_start3A_503] : memref<200x8x32x8x128xf32, #tpu.memory_space<hbm>> -> memref<1x1x1x8x128xf32, #tpu.memory_space<hbm>>
      %dma_start3A_505 = tpu.memref_squeeze %dma_start3A_504 : memref<1x1x1x8x128xf32, #tpu.memory_space<hbm>> -> memref<8x128xf32, #tpu.memory_space<hbm>>
      %dma_start3A_506 = arith.constant 0 : i32
      %dma_start3A_507 = arith.constant 0 : i32
      %dma_start3A_508 = tpu.memref_slice %arg4[%select_n3A_370, %dma_start3A_498, %select_n3A_386, %dma_start3A_506, %dma_start3A_507] : memref<200x8x32x8x128xf32, #tpu.memory_space<hbm>> -> memref<1x1x1x8x128xf32, #tpu.memory_space<hbm>>
      %dma_start3A_509 = tpu.memref_squeeze %dma_start3A_508 : memref<1x1x1x8x128xf32, #tpu.memory_space<hbm>> -> memref<8x128xf32, #tpu.memory_space<hbm>>
      %dma_start3A_510 = arith.constant 48 : i32
      %dma_start3A_511 = arith.constant 0 : i32
      %dma_start3A_512 = tpu.memref_slice %arg8[%dma_start3A_510, %dma_start3A_511] : memref<64x129xf32, #tpu.memory_space<vmem>> -> memref<8x128xf32, #tpu.memory_space<vmem>>
      tpu.enqueue_dma source(%dma_start3A_512 : memref<8x128xf32, #tpu.memory_space<vmem>>) target(%dma_start3A_509 : memref<8x128xf32, #tpu.memory_space<hbm>>) target_semaphore(%arg12 : memref<!tpu.dma_semaphore, #tpu.memory_space<semaphore_mem>>)
      %dma_start3A_513 = arith.constant 7 : i32
      %dma_start3A_514 = arith.constant 56 : i32
      %dma_start3A_515 = arith.constant 0 : i32
      %dma_start3A_516 = tpu.memref_slice %arg8[%dma_start3A_514, %dma_start3A_515] : memref<64x129xf32, #tpu.memory_space<vmem>> -> memref<8x128xf32, #tpu.memory_space<vmem>>
      %dma_start3A_517 = arith.constant 0 : i32
      %dma_start3A_518 = arith.constant 0 : i32
      %dma_start3A_519 = tpu.memref_slice %arg4[%select_n3A_370, %dma_start3A_513, %select_n3A_386, %dma_start3A_517, %dma_start3A_518] : memref<200x8x32x8x128xf32, #tpu.memory_space<hbm>> -> memref<1x1x1x8x128xf32, #tpu.memory_space<hbm>>
      %dma_start3A_520 = tpu.memref_squeeze %dma_start3A_519 : memref<1x1x1x8x128xf32, #tpu.memory_space<hbm>> -> memref<8x128xf32, #tpu.memory_space<hbm>>
      %dma_start3A_521 = arith.constant 0 : i32
      %dma_start3A_522 = arith.constant 0 : i32
      %dma_start3A_523 = tpu.memref_slice %arg4[%select_n3A_370, %dma_start3A_513, %select_n3A_386, %dma_start3A_521, %dma_start3A_522] : memref<200x8x32x8x128xf32, #tpu.memory_space<hbm>> -> memref<1x1x1x8x128xf32, #tpu.memory_space<hbm>>
      %dma_start3A_524 = tpu.memref_squeeze %dma_start3A_523 : memref<1x1x1x8x128xf32, #tpu.memory_space<hbm>> -> memref<8x128xf32, #tpu.memory_space<hbm>>
      %dma_start3A_525 = arith.constant 56 : i32
      %dma_start3A_526 = arith.constant 0 : i32
      %dma_start3A_527 = tpu.memref_slice %arg8[%dma_start3A_525, %dma_start3A_526] : memref<64x129xf32, #tpu.memory_space<vmem>> -> memref<8x128xf32, #tpu.memory_space<vmem>>
      tpu.enqueue_dma source(%dma_start3A_527 : memref<8x128xf32, #tpu.memory_space<vmem>>) target(%dma_start3A_524 : memref<8x128xf32, #tpu.memory_space<hbm>>) target_semaphore(%arg12 : memref<!tpu.dma_semaphore, #tpu.memory_space<semaphore_mem>>)
      %lt3A_528 = arith.constant 99 : i32
      %lt3A_529 = arith.cmpi slt, %scan3A_327, %lt3A_528 : i32
      %convert_element_type3A_530 = arith.extui %lt3A_529 : i1 to i32
      %cond3A_531 = arith.constant 0 : i32
      %cond3A_532 = arith.cmpi ne, %convert_element_type3A_530, %cond3A_531 : i32
      scf.if %cond3A_532 {
        %add3A_727 = arith.constant 2 : i32
        %add3A_728 = arith.addi %mul3A_329, %add3A_727 : i32
        %mul3A_729 = arith.constant 128 : i32
        %mul3A_730 = arith.muli %add3A_728, %mul3A_729 : i32
        %dma_start3A_731 = tpu.memref_slice %arg5[%mul3A_730] : memref<25600xi32, #tpu.memory_space<vmem>> -> memref<128xi32, #tpu.memory_space<vmem>>
        %dma_start3A_732 = arith.constant 0 : i32
        %dma_start3A_733 = arith.constant 0 : i32
        %dma_start3A_734 = tpu.memref_slice %arg3[%dma_start3A_732, %dma_start3A_733] : memref<100000x64xf32, #tpu.memory_space<hbm>> -> memref<100000x64xf32, #tpu.memory_space<hbm>>
        tpu.enqueue_indirect_dma source(%dma_start3A_734 : memref<100000x64xf32, #tpu.memory_space<hbm>>) target(%arg6 : memref<128x64xf32, #tpu.memory_space<vmem>>) offsets(%dma_start3A_731 : memref<128xi32, #tpu.memory_space<vmem>>) semaphore(%arg10 : memref<!tpu.dma_semaphore, #tpu.memory_space<semaphore_mem>>)
      } else {
      }
      %mul3A_533 = arith.constant 128 : i32
      %mul3A_534 = arith.muli %add3A_331, %mul3A_533 : i32
      %dma_wait3A_535 = tpu.memref_slice %arg5[%mul3A_534] : memref<25600xi32, #tpu.memory_space<vmem>> -> memref<128xi32, #tpu.memory_space<vmem>>
      %dma_wait3A_536 = arith.constant 0 : i32
      %dma_wait3A_537 = arith.constant 0 : i32
      %dma_wait3A_538 = tpu.memref_slice %arg3[%dma_wait3A_536, %dma_wait3A_537] : memref<100000x64xf32, #tpu.memory_space<hbm>> -> memref<100000x64xf32, #tpu.memory_space<hbm>>
      tpu.wait_indirect_dma semaphore(%arg11 : memref<!tpu.dma_semaphore, #tpu.memory_space<semaphore_mem>>) src(%dma_wait3A_538 : memref<100000x64xf32, #tpu.memory_space<hbm>>) dst(%arg7 : memref<128x64xf32, #tpu.memory_space<vmem>>)
      %gt3A_539 = arith.constant 0 : i32
      %gt3A_540 = arith.cmpi sgt, %scan3A_327, %gt3A_539 : i32
      %convert_element_type3A_541 = arith.extui %gt3A_540 : i1 to i32
      %cond3A_542 = arith.constant 0 : i32
      %cond3A_543 = arith.cmpi ne, %convert_element_type3A_541, %cond3A_542 : i32
      scf.if %cond3A_543 {
        %sub3A_727 = arith.constant 2 : i32
        %sub3A_728 = arith.subi %add3A_331, %sub3A_727 : i32
        %add3A_729 = arith.addi %mul3A_4, %sub3A_728 : i32
        %jit3A_730 = arith.constant 32 : i32
        %div3A_731 = arith.divsi %add3A_729, %jit3A_730 : i32
        %sign3A_732 = arith.constant 0 : i32
        %sign3A_733 = arith.cmpi sgt, %add3A_729, %sign3A_732 : i32
        %sign3A_734 = arith.extui %sign3A_733 : i1 to i32
        %sign3A_735 = arith.constant 0 : i32
        %sign3A_736 = arith.cmpi slt, %add3A_729, %sign3A_735 : i32
        %sign3A_737 = arith.extui %sign3A_736 : i1 to i32
        %sign3A_738 = arith.subi %sign3A_734, %sign3A_737 : i32
        %sign3A_739 = arith.constant 0 : i32
        %sign3A_740 = arith.cmpi sgt, %jit3A_730, %sign3A_739 : i32
        %sign3A_741 = arith.extui %sign3A_740 : i1 to i32
        %sign3A_742 = arith.constant 0 : i32
        %sign3A_743 = arith.cmpi slt, %jit3A_730, %sign3A_742 : i32
        %sign3A_744 = arith.extui %sign3A_743 : i1 to i32
        %sign3A_745 = arith.subi %sign3A_741, %sign3A_744 : i32
        %ne3A_746 = arith.cmpi ne, %sign3A_738, %sign3A_745 : i32
        %rem3A_747 = arith.remsi %add3A_729, %jit3A_730 : i32
        %ne3A_748 = arith.constant 0 : i32
        %ne3A_749 = arith.cmpi ne, %rem3A_747, %ne3A_748 : i32
        %and3A_750 = arith.andi %ne3A_746, %ne3A_749 : i1
        %sub3A_751 = arith.constant 1 : i32
        %sub3A_752 = arith.subi %div3A_731, %sub3A_751 : i32
        %select_n3A_753 = arith.select %and3A_750, %sub3A_752, %div3A_731 : i32
        %jit3A_754 = arith.constant 32 : i32
        %eq3A_755 = arith.constant 0 : i32
        %eq3A_756 = arith.cmpi eq, %jit3A_754, %eq3A_755 : i32
        %jit3A_757 = arith.constant 1 : i32
        %select_n3A_758 = arith.select %eq3A_756, %jit3A_757, %jit3A_754 : i32
        %rem3A_759 = arith.remsi %add3A_729, %select_n3A_758 : i32
        %ne3A_760 = arith.constant 0 : i32
        %ne3A_761 = arith.cmpi ne, %rem3A_759, %ne3A_760 : i32
        %lt3A_762 = arith.constant 0 : i32
        %lt3A_763 = arith.cmpi slt, %rem3A_759, %lt3A_762 : i32
        %lt3A_764 = arith.constant 0 : i32
        %lt3A_765 = arith.cmpi slt, %select_n3A_758, %lt3A_764 : i32
        %ne3A_766 = arith.xori %lt3A_763, %lt3A_765 : i1
        %and3A_767 = arith.andi %ne3A_766, %ne3A_761 : i1
        %add3A_768 = arith.addi %rem3A_759, %select_n3A_758 : i32
        %select_n3A_769 = arith.select %and3A_767, %add3A_768, %rem3A_759 : i32
        %dma_wait3A_770 = arith.constant 0 : i32
        %dma_wait3A_771 = arith.constant 0 : i32
        %dma_wait3A_772 = arith.constant 0 : i32
        %dma_wait3A_773 = tpu.memref_slice %arg9[%dma_wait3A_771, %dma_wait3A_772] : memref<64x129xf32, #tpu.memory_space<vmem>> -> memref<8x128xf32, #tpu.memory_space<vmem>>
        %dma_wait3A_774 = arith.constant 0 : i32
        %dma_wait3A_775 = arith.constant 0 : i32
        %dma_wait3A_776 = tpu.memref_slice %arg4[%select_n3A_753, %dma_wait3A_770, %select_n3A_769, %dma_wait3A_774, %dma_wait3A_775] : memref<200x8x32x8x128xf32, #tpu.memory_space<hbm>> -> memref<1x1x1x8x128xf32, #tpu.memory_space<hbm>>
        %dma_wait3A_777 = tpu.memref_squeeze %dma_wait3A_776 : memref<1x1x1x8x128xf32, #tpu.memory_space<hbm>> -> memref<8x128xf32, #tpu.memory_space<hbm>>
        %dma_wait3A_778 = arith.constant 0 : i32
        %dma_wait3A_779 = arith.constant 0 : i32
        %dma_wait3A_780 = tpu.memref_slice %arg4[%select_n3A_753, %dma_wait3A_770, %select_n3A_769, %dma_wait3A_778, %dma_wait3A_779] : memref<200x8x32x8x128xf32, #tpu.memory_space<hbm>> -> memref<1x1x1x8x128xf32, #tpu.memory_space<hbm>>
        %dma_wait3A_781 = tpu.memref_squeeze %dma_wait3A_780 : memref<1x1x1x8x128xf32, #tpu.memory_space<hbm>> -> memref<8x128xf32, #tpu.memory_space<hbm>>
        %dma_wait3A_782 = arith.constant 0 : i32
        %dma_wait3A_783 = arith.constant 0 : i32
        %dma_wait3A_784 = tpu.memref_slice %arg9[%dma_wait3A_782, %dma_wait3A_783] : memref<64x129xf32, #tpu.memory_space<vmem>> -> memref<8x128xf32, #tpu.memory_space<vmem>>
        tpu.wait_dma2 semaphore(%arg13 : memref<!tpu.dma_semaphore, #tpu.memory_space<semaphore_mem>>) src(%dma_wait3A_784 : memref<8x128xf32, #tpu.memory_space<vmem>>) dst(%dma_wait3A_781 : memref<8x128xf32, #tpu.memory_space<hbm>>)
        %dma_wait3A_785 = arith.constant 1 : i32
        %dma_wait3A_786 = arith.constant 8 : i32
        %dma_wait3A_787 = arith.constant 0 : i32
        %dma_wait3A_788 = tpu.memref_slice %arg9[%dma_wait3A_786, %dma_wait3A_787] : memref<64x129xf32, #tpu.memory_space<vmem>> -> memref<8x128xf32, #tpu.memory_space<vmem>>
        %dma_wait3A_789 = arith.constant 0 : i32
        %dma_wait3A_790 = arith.constant 0 : i32
        %dma_wait3A_791 = tpu.memref_slice %arg4[%select_n3A_753, %dma_wait3A_785, %select_n3A_769, %dma_wait3A_789, %dma_wait3A_790] : memref<200x8x32x8x128xf32, #tpu.memory_space<hbm>> -> memref<1x1x1x8x128xf32, #tpu.memory_space<hbm>>
        %dma_wait3A_792 = tpu.memref_squeeze %dma_wait3A_791 : memref<1x1x1x8x128xf32, #tpu.memory_space<hbm>> -> memref<8x128xf32, #tpu.memory_space<hbm>>
        %dma_wait3A_793 = arith.constant 0 : i32
        %dma_wait3A_794 = arith.constant 0 : i32
        %dma_wait3A_795 = tpu.memref_slice %arg4[%select_n3A_753, %dma_wait3A_785, %select_n3A_769, %dma_wait3A_793, %dma_wait3A_794] : memref<200x8x32x8x128xf32, #tpu.memory_space<hbm>> -> memref<1x1x1x8x128xf32, #tpu.memory_space<hbm>>
        %dma_wait3A_796 = tpu.memref_squeeze %dma_wait3A_795 : memref<1x1x1x8x128xf32, #tpu.memory_space<hbm>> -> memref<8x128xf32, #tpu.memory_space<hbm>>
        %dma_wait3A_797 = arith.constant 8 : i32
        %dma_wait3A_798 = arith.constant 0 : i32
        %dma_wait3A_799 = tpu.memref_slice %arg9[%dma_wait3A_797, %dma_wait3A_798] : memref<64x129xf32, #tpu.memory_space<vmem>> -> memref<8x128xf32, #tpu.memory_space<vmem>>
        tpu.wait_dma2 semaphore(%arg13 : memref<!tpu.dma_semaphore, #tpu.memory_space<semaphore_mem>>) src(%dma_wait3A_799 : memref<8x128xf32, #tpu.memory_space<vmem>>) dst(%dma_wait3A_796 : memref<8x128xf32, #tpu.memory_space<hbm>>)
        %dma_wait3A_800 = arith.constant 2 : i32
        %dma_wait3A_801 = arith.constant 16 : i32
        %dma_wait3A_802 = arith.constant 0 : i32
        %dma_wait3A_803 = tpu.memref_slice %arg9[%dma_wait3A_801, %dma_wait3A_802] : memref<64x129xf32, #tpu.memory_space<vmem>> -> memref<8x128xf32, #tpu.memory_space<vmem>>
        %dma_wait3A_804 = arith.constant 0 : i32
        %dma_wait3A_805 = arith.constant 0 : i32
        %dma_wait3A_806 = tpu.memref_slice %arg4[%select_n3A_753, %dma_wait3A_800, %select_n3A_769, %dma_wait3A_804, %dma_wait3A_805] : memref<200x8x32x8x128xf32, #tpu.memory_space<hbm>> -> memref<1x1x1x8x128xf32, #tpu.memory_space<hbm>>
        %dma_wait3A_807 = tpu.memref_squeeze %dma_wait3A_806 : memref<1x1x1x8x128xf32, #tpu.memory_space<hbm>> -> memref<8x128xf32, #tpu.memory_space<hbm>>
        %dma_wait3A_808 = arith.constant 0 : i32
        %dma_wait3A_809 = arith.constant 0 : i32
        %dma_wait3A_810 = tpu.memref_slice %arg4[%select_n3A_753, %dma_wait3A_800, %select_n3A_769, %dma_wait3A_808, %dma_wait3A_809] : memref<200x8x32x8x128xf32, #tpu.memory_space<hbm>> -> memref<1x1x1x8x128xf32, #tpu.memory_space<hbm>>
        %dma_wait3A_811 = tpu.memref_squeeze %dma_wait3A_810 : memref<1x1x1x8x128xf32, #tpu.memory_space<hbm>> -> memref<8x128xf32, #tpu.memory_space<hbm>>
        %dma_wait3A_812 = arith.constant 16 : i32
        %dma_wait3A_813 = arith.constant 0 : i32
        %dma_wait3A_814 = tpu.memref_slice %arg9[%dma_wait3A_812, %dma_wait3A_813] : memref<64x129xf32, #tpu.memory_space<vmem>> -> memref<8x128xf32, #tpu.memory_space<vmem>>
        tpu.wait_dma2 semaphore(%arg13 : memref<!tpu.dma_semaphore, #tpu.memory_space<semaphore_mem>>) src(%dma_wait3A_814 : memref<8x128xf32, #tpu.memory_space<vmem>>) dst(%dma_wait3A_811 : memref<8x128xf32, #tpu.memory_space<hbm>>)
        %dma_wait3A_815 = arith.constant 3 : i32
        %dma_wait3A_816 = arith.constant 24 : i32
        %dma_wait3A_817 = arith.constant 0 : i32
        %dma_wait3A_818 = tpu.memref_slice %arg9[%dma_wait3A_816, %dma_wait3A_817] : memref<64x129xf32, #tpu.memory_space<vmem>> -> memref<8x128xf32, #tpu.memory_space<vmem>>
        %dma_wait3A_819 = arith.constant 0 : i32
        %dma_wait3A_820 = arith.constant 0 : i32
        %dma_wait3A_821 = tpu.memref_slice %arg4[%select_n3A_753, %dma_wait3A_815, %select_n3A_769, %dma_wait3A_819, %dma_wait3A_820] : memref<200x8x32x8x128xf32, #tpu.memory_space<hbm>> -> memref<1x1x1x8x128xf32, #tpu.memory_space<hbm>>
        %dma_wait3A_822 = tpu.memref_squeeze %dma_wait3A_821 : memref<1x1x1x8x128xf32, #tpu.memory_space<hbm>> -> memref<8x128xf32, #tpu.memory_space<hbm>>
        %dma_wait3A_823 = arith.constant 0 : i32
        %dma_wait3A_824 = arith.constant 0 : i32
        %dma_wait3A_825 = tpu.memref_slice %arg4[%select_n3A_753, %dma_wait3A_815, %select_n3A_769, %dma_wait3A_823, %dma_wait3A_824] : memref<200x8x32x8x128xf32, #tpu.memory_space<hbm>> -> memref<1x1x1x8x128xf32, #tpu.memory_space<hbm>>
        %dma_wait3A_826 = tpu.memref_squeeze %dma_wait3A_825 : memref<1x1x1x8x128xf32, #tpu.memory_space<hbm>> -> memref<8x128xf32, #tpu.memory_space<hbm>>
        %dma_wait3A_827 = arith.constant 24 : i32
        %dma_wait3A_828 = arith.constant 0 : i32
        %dma_wait3A_829 = tpu.memref_slice %arg9[%dma_wait3A_827, %dma_wait3A_828] : memref<64x129xf32, #tpu.memory_space<vmem>> -> memref<8x128xf32, #tpu.memory_space<vmem>>
        tpu.wait_dma2 semaphore(%arg13 : memref<!tpu.dma_semaphore, #tpu.memory_space<semaphore_mem>>) src(%dma_wait3A_829 : memref<8x128xf32, #tpu.memory_space<vmem>>) dst(%dma_wait3A_826 : memref<8x128xf32, #tpu.memory_space<hbm>>)
        %dma_wait3A_830 = arith.constant 4 : i32
        %dma_wait3A_831 = arith.constant 32 : i32
        %dma_wait3A_832 = arith.constant 0 : i32
        %dma_wait3A_833 = tpu.memref_slice %arg9[%dma_wait3A_831, %dma_wait3A_832] : memref<64x129xf32, #tpu.memory_space<vmem>> -> memref<8x128xf32, #tpu.memory_space<vmem>>
        %dma_wait3A_834 = arith.constant 0 : i32
        %dma_wait3A_835 = arith.constant 0 : i32
        %dma_wait3A_836 = tpu.memref_slice %arg4[%select_n3A_753, %dma_wait3A_830, %select_n3A_769, %dma_wait3A_834, %dma_wait3A_835] : memref<200x8x32x8x128xf32, #tpu.memory_space<hbm>> -> memref<1x1x1x8x128xf32, #tpu.memory_space<hbm>>
        %dma_wait3A_837 = tpu.memref_squeeze %dma_wait3A_836 : memref<1x1x1x8x128xf32, #tpu.memory_space<hbm>> -> memref<8x128xf32, #tpu.memory_space<hbm>>
        %dma_wait3A_838 = arith.constant 0 : i32
        %dma_wait3A_839 = arith.constant 0 : i32
        %dma_wait3A_840 = tpu.memref_slice %arg4[%select_n3A_753, %dma_wait3A_830, %select_n3A_769, %dma_wait3A_838, %dma_wait3A_839] : memref<200x8x32x8x128xf32, #tpu.memory_space<hbm>> -> memref<1x1x1x8x128xf32, #tpu.memory_space<hbm>>
        %dma_wait3A_841 = tpu.memref_squeeze %dma_wait3A_840 : memref<1x1x1x8x128xf32, #tpu.memory_space<hbm>> -> memref<8x128xf32, #tpu.memory_space<hbm>>
        %dma_wait3A_842 = arith.constant 32 : i32
        %dma_wait3A_843 = arith.constant 0 : i32
        %dma_wait3A_844 = tpu.memref_slice %arg9[%dma_wait3A_842, %dma_wait3A_843] : memref<64x129xf32, #tpu.memory_space<vmem>> -> memref<8x128xf32, #tpu.memory_space<vmem>>
        tpu.wait_dma2 semaphore(%arg13 : memref<!tpu.dma_semaphore, #tpu.memory_space<semaphore_mem>>) src(%dma_wait3A_844 : memref<8x128xf32, #tpu.memory_space<vmem>>) dst(%dma_wait3A_841 : memref<8x128xf32, #tpu.memory_space<hbm>>)
        %dma_wait3A_845 = arith.constant 5 : i32
        %dma_wait3A_846 = arith.constant 40 : i32
        %dma_wait3A_847 = arith.constant 0 : i32
        %dma_wait3A_848 = tpu.memref_slice %arg9[%dma_wait3A_846, %dma_wait3A_847] : memref<64x129xf32, #tpu.memory_space<vmem>> -> memref<8x128xf32, #tpu.memory_space<vmem>>
        %dma_wait3A_849 = arith.constant 0 : i32
        %dma_wait3A_850 = arith.constant 0 : i32
        %dma_wait3A_851 = tpu.memref_slice %arg4[%select_n3A_753, %dma_wait3A_845, %select_n3A_769, %dma_wait3A_849, %dma_wait3A_850] : memref<200x8x32x8x128xf32, #tpu.memory_space<hbm>> -> memref<1x1x1x8x128xf32, #tpu.memory_space<hbm>>
        %dma_wait3A_852 = tpu.memref_squeeze %dma_wait3A_851 : memref<1x1x1x8x128xf32, #tpu.memory_space<hbm>> -> memref<8x128xf32, #tpu.memory_space<hbm>>
        %dma_wait3A_853 = arith.constant 0 : i32
        %dma_wait3A_854 = arith.constant 0 : i32
        %dma_wait3A_855 = tpu.memref_slice %arg4[%select_n3A_753, %dma_wait3A_845, %select_n3A_769, %dma_wait3A_853, %dma_wait3A_854] : memref<200x8x32x8x128xf32, #tpu.memory_space<hbm>> -> memref<1x1x1x8x128xf32, #tpu.memory_space<hbm>>
        %dma_wait3A_856 = tpu.memref_squeeze %dma_wait3A_855 : memref<1x1x1x8x128xf32, #tpu.memory_space<hbm>> -> memref<8x128xf32, #tpu.memory_space<hbm>>
        %dma_wait3A_857 = arith.constant 40 : i32
        %dma_wait3A_858 = arith.constant 0 : i32
        %dma_wait3A_859 = tpu.memref_slice %arg9[%dma_wait3A_857, %dma_wait3A_858] : memref<64x129xf32, #tpu.memory_space<vmem>> -> memref<8x128xf32, #tpu.memory_space<vmem>>
        tpu.wait_dma2 semaphore(%arg13 : memref<!tpu.dma_semaphore, #tpu.memory_space<semaphore_mem>>) src(%dma_wait3A_859 : memref<8x128xf32, #tpu.memory_space<vmem>>) dst(%dma_wait3A_856 : memref<8x128xf32, #tpu.memory_space<hbm>>)
        %dma_wait3A_860 = arith.constant 6 : i32
        %dma_wait3A_861 = arith.constant 48 : i32
        %dma_wait3A_862 = arith.constant 0 : i32
        %dma_wait3A_863 = tpu.memref_slice %arg9[%dma_wait3A_861, %dma_wait3A_862] : memref<64x129xf32, #tpu.memory_space<vmem>> -> memref<8x128xf32, #tpu.memory_space<vmem>>
        %dma_wait3A_864 = arith.constant 0 : i32
        %dma_wait3A_865 = arith.constant 0 : i32
        %dma_wait3A_866 = tpu.memref_slice %arg4[%select_n3A_753, %dma_wait3A_860, %select_n3A_769, %dma_wait3A_864, %dma_wait3A_865] : memref<200x8x32x8x128xf32, #tpu.memory_space<hbm>> -> memref<1x1x1x8x128xf32, #tpu.memory_space<hbm>>
        %dma_wait3A_867 = tpu.memref_squeeze %dma_wait3A_866 : memref<1x1x1x8x128xf32, #tpu.memory_space<hbm>> -> memref<8x128xf32, #tpu.memory_space<hbm>>
        %dma_wait3A_868 = arith.constant 0 : i32
        %dma_wait3A_869 = arith.constant 0 : i32
        %dma_wait3A_870 = tpu.memref_slice %arg4[%select_n3A_753, %dma_wait3A_860, %select_n3A_769, %dma_wait3A_868, %dma_wait3A_869] : memref<200x8x32x8x128xf32, #tpu.memory_space<hbm>> -> memref<1x1x1x8x128xf32, #tpu.memory_space<hbm>>
        %dma_wait3A_871 = tpu.memref_squeeze %dma_wait3A_870 : memref<1x1x1x8x128xf32, #tpu.memory_space<hbm>> -> memref<8x128xf32, #tpu.memory_space<hbm>>
        %dma_wait3A_872 = arith.constant 48 : i32
        %dma_wait3A_873 = arith.constant 0 : i32
        %dma_wait3A_874 = tpu.memref_slice %arg9[%dma_wait3A_872, %dma_wait3A_873] : memref<64x129xf32, #tpu.memory_space<vmem>> -> memref<8x128xf32, #tpu.memory_space<vmem>>
        tpu.wait_dma2 semaphore(%arg13 : memref<!tpu.dma_semaphore, #tpu.memory_space<semaphore_mem>>) src(%dma_wait3A_874 : memref<8x128xf32, #tpu.memory_space<vmem>>) dst(%dma_wait3A_871 : memref<8x128xf32, #tpu.memory_space<hbm>>)
        %dma_wait3A_875 = arith.constant 7 : i32
        %dma_wait3A_876 = arith.constant 56 : i32
        %dma_wait3A_877 = arith.constant 0 : i32
        %dma_wait3A_878 = tpu.memref_slice %arg9[%dma_wait3A_876, %dma_wait3A_877] : memref<64x129xf32, #tpu.memory_space<vmem>> -> memref<8x128xf32, #tpu.memory_space<vmem>>
        %dma_wait3A_879 = arith.constant 0 : i32
        %dma_wait3A_880 = arith.constant 0 : i32
        %dma_wait3A_881 = tpu.memref_slice %arg4[%select_n3A_753, %dma_wait3A_875, %select_n3A_769, %dma_wait3A_879, %dma_wait3A_880] : memref<200x8x32x8x128xf32, #tpu.memory_space<hbm>> -> memref<1x1x1x8x128xf32, #tpu.memory_space<hbm>>
        %dma_wait3A_882 = tpu.memref_squeeze %dma_wait3A_881 : memref<1x1x1x8x128xf32, #tpu.memory_space<hbm>> -> memref<8x128xf32, #tpu.memory_space<hbm>>
        %dma_wait3A_883 = arith.constant 0 : i32
        %dma_wait3A_884 = arith.constant 0 : i32
        %dma_wait3A_885 = tpu.memref_slice %arg4[%select_n3A_753, %dma_wait3A_875, %select_n3A_769, %dma_wait3A_883, %dma_wait3A_884] : memref<200x8x32x8x128xf32, #tpu.memory_space<hbm>> -> memref<1x1x1x8x128xf32, #tpu.memory_space<hbm>>
        %dma_wait3A_886 = tpu.memref_squeeze %dma_wait3A_885 : memref<1x1x1x8x128xf32, #tpu.memory_space<hbm>> -> memref<8x128xf32, #tpu.memory_space<hbm>>
        %dma_wait3A_887 = arith.constant 56 : i32
        %dma_wait3A_888 = arith.constant 0 : i32
        %dma_wait3A_889 = tpu.memref_slice %arg9[%dma_wait3A_887, %dma_wait3A_888] : memref<64x129xf32, #tpu.memory_space<vmem>> -> memref<8x128xf32, #tpu.memory_space<vmem>>
        tpu.wait_dma2 semaphore(%arg13 : memref<!tpu.dma_semaphore, #tpu.memory_space<semaphore_mem>>) src(%dma_wait3A_889 : memref<8x128xf32, #tpu.memory_space<vmem>>) dst(%dma_wait3A_886 : memref<8x128xf32, #tpu.memory_space<hbm>>)
      } else {
      }
      %add3A_544 = arith.addi %mul3A_4, %add3A_331 : i32
      %jit3A_545 = arith.constant 32 : i32
      %div3A_546 = arith.divsi %add3A_544, %jit3A_545 : i32
      %sign3A_547 = arith.constant 0 : i32
      %sign3A_548 = arith.cmpi sgt, %add3A_544, %sign3A_547 : i32
      %sign3A_549 = arith.extui %sign3A_548 : i1 to i32
      %sign3A_550 = arith.constant 0 : i32
      %sign3A_551 = arith.cmpi slt, %add3A_544, %sign3A_550 : i32
      %sign3A_552 = arith.extui %sign3A_551 : i1 to i32
      %sign3A_553 = arith.subi %sign3A_549, %sign3A_552 : i32
      %sign3A_554 = arith.constant 0 : i32
      %sign3A_555 = arith.cmpi sgt, %jit3A_545, %sign3A_554 : i32
      %sign3A_556 = arith.extui %sign3A_555 : i1 to i32
      %sign3A_557 = arith.constant 0 : i32
      %sign3A_558 = arith.cmpi slt, %jit3A_545, %sign3A_557 : i32
      %sign3A_559 = arith.extui %sign3A_558 : i1 to i32
      %sign3A_560 = arith.subi %sign3A_556, %sign3A_559 : i32
      %ne3A_561 = arith.cmpi ne, %sign3A_553, %sign3A_560 : i32
      %rem3A_562 = arith.remsi %add3A_544, %jit3A_545 : i32
      %ne3A_563 = arith.constant 0 : i32
      %ne3A_564 = arith.cmpi ne, %rem3A_562, %ne3A_563 : i32
      %and3A_565 = arith.andi %ne3A_561, %ne3A_564 : i1
      %sub3A_566 = arith.constant 1 : i32
      %sub3A_567 = arith.subi %div3A_546, %sub3A_566 : i32
      %select_n3A_568 = arith.select %and3A_565, %sub3A_567, %div3A_546 : i32
      %jit3A_569 = arith.constant 32 : i32
      %eq3A_570 = arith.constant 0 : i32
      %eq3A_571 = arith.cmpi eq, %jit3A_569, %eq3A_570 : i32
      %jit3A_572 = arith.constant 1 : i32
      %select_n3A_573 = arith.select %eq3A_571, %jit3A_572, %jit3A_569 : i32
      %rem3A_574 = arith.remsi %add3A_544, %select_n3A_573 : i32
      %ne3A_575 = arith.constant 0 : i32
      %ne3A_576 = arith.cmpi ne, %rem3A_574, %ne3A_575 : i32
      %lt3A_577 = arith.constant 0 : i32
      %lt3A_578 = arith.cmpi slt, %rem3A_574, %lt3A_577 : i32
      %lt3A_579 = arith.constant 0 : i32
      %lt3A_580 = arith.cmpi slt, %select_n3A_573, %lt3A_579 : i32
      %ne3A_581 = arith.xori %lt3A_578, %lt3A_580 : i1
      %and3A_582 = arith.andi %ne3A_581, %ne3A_576 : i1
      %add3A_583 = arith.addi %rem3A_574, %select_n3A_573 : i32
      %select_n3A_584 = arith.select %and3A_582, %add3A_583, %rem3A_574 : i32
      %iota3A_585 = tpu.iota {dimensions = array<i32: 0>} : vector<16xi32>
      %add3A_586 = arith.constant 0 : i32
      %add3A_587 = vector.broadcast %add3A_586 : i32 to vector<16xi32>
      %add3A_588 = arith.addi %iota3A_585, %add3A_587 : vector<16xi32>
      %add3A_589 = arith.constant 16 : i32
      %add3A_590 = vector.broadcast %add3A_589 : i32 to vector<16xi32>
      %add3A_591 = arith.addi %iota3A_585, %add3A_590 : vector<16xi32>
      %add3A_592 = arith.constant 32 : i32
      %add3A_593 = vector.broadcast %add3A_592 : i32 to vector<16xi32>
      %add3A_594 = arith.addi %iota3A_585, %add3A_593 : vector<16xi32>
      %add3A_595 = arith.constant 48 : i32
      %add3A_596 = vector.broadcast %add3A_595 : i32 to vector<16xi32>
      %add3A_597 = arith.addi %iota3A_585, %add3A_596 : vector<16xi32>
      %mul3A_598 = arith.constant 0 : i32
      %mul3A_599 = vector.broadcast %mul3A_598 : i32 to vector<16xi32>
      %mul3A_600 = arith.muli %iota3A_585, %mul3A_599 : vector<16xi32>
      %scan3A_601 = arith.constant 0 : i32
      %scan3A_602 = arith.constant 128 : i32
      %scan3A_603 = arith.addi %scan3A_601, %scan3A_602 : i32
      %scan3A_604 = arith.constant 4 : i32
      %scan3A_605 = scf.for %scan3A_727 = %scan3A_601 to %scan3A_603 step %scan3A_604 iter_args(%scan3A_728 = %mul3A_600) -> (vector<16xi32>)  : i32 {
        %get3A = arith.index_cast %scan3A_727 : i32 to index
        %get3A_729 = arith.constant 0 : index
        %get3A_730 = tpu.vector_load %arg7[%get3A, %get3A_729] {strides = array<i32>} : memref<128x64xf32, #tpu.memory_space<vmem>>, vector<16xf32>,
        tpu.vector_store_idx %arg9[%add3A_588, %scan3A_728], %get3A_730 : memref<64x129xf32, #tpu.memory_space<vmem>>[vector<16xi32>, vector<16xi32>], vector<16xf32>,
        %get3A_731 = arith.index_cast %scan3A_727 : i32 to index
        %get3A_732 = arith.constant 16 : index
        %get3A_733 = tpu.vector_load %arg7[%get3A_731, %get3A_732] {strides = array<i32>} : memref<128x64xf32, #tpu.memory_space<vmem>>, vector<16xf32>,
        tpu.vector_store_idx %arg9[%add3A_591, %scan3A_728], %get3A_733 : memref<64x129xf32, #tpu.memory_space<vmem>>[vector<16xi32>, vector<16xi32>], vector<16xf32>,
        %get3A_734 = arith.index_cast %scan3A_727 : i32 to index
        %get3A_735 = arith.constant 32 : index
        %get3A_736 = tpu.vector_load %arg7[%get3A_734, %get3A_735] {strides = array<i32>} : memref<128x64xf32, #tpu.memory_space<vmem>>, vector<16xf32>,
        tpu.vector_store_idx %arg9[%add3A_594, %scan3A_728], %get3A_736 : memref<64x129xf32, #tpu.memory_space<vmem>>[vector<16xi32>, vector<16xi32>], vector<16xf32>,
        %get3A_737 = arith.index_cast %scan3A_727 : i32 to index
        %get3A_738 = arith.constant 48 : index
        %get3A_739 = tpu.vector_load %arg7[%get3A_737, %get3A_738] {strides = array<i32>} : memref<128x64xf32, #tpu.memory_space<vmem>>, vector<16xf32>,
        tpu.vector_store_idx %arg9[%add3A_597, %scan3A_728], %get3A_739 : memref<64x129xf32, #tpu.memory_space<vmem>>[vector<16xi32>, vector<16xi32>], vector<16xf32>,
        %add3A_740 = arith.constant 1 : i32
        %add3A_741 = vector.broadcast %add3A_740 : i32 to vector<16xi32>
        %add3A_742 = arith.addi %scan3A_728, %add3A_741 : vector<16xi32>
        %scan3A_743 = arith.constant 1 : i32
        %scan3A_744 = arith.addi %scan3A_727, %scan3A_743 : i32
        %get3A_745 = arith.index_cast %scan3A_744 : i32 to index
        %get3A_746 = arith.constant 0 : index
        %get3A_747 = tpu.vector_load %arg7[%get3A_745, %get3A_746] {strides = array<i32>} : memref<128x64xf32, #tpu.memory_space<vmem>>, vector<16xf32>,
        tpu.vector_store_idx %arg9[%add3A_588, %add3A_742], %get3A_747 : memref<64x129xf32, #tpu.memory_space<vmem>>[vector<16xi32>, vector<16xi32>], vector<16xf32>,
        %get3A_748 = arith.index_cast %scan3A_744 : i32 to index
        %get3A_749 = arith.constant 16 : index
        %get3A_750 = tpu.vector_load %arg7[%get3A_748, %get3A_749] {strides = array<i32>} : memref<128x64xf32, #tpu.memory_space<vmem>>, vector<16xf32>,
        tpu.vector_store_idx %arg9[%add3A_591, %add3A_742], %get3A_750 : memref<64x129xf32, #tpu.memory_space<vmem>>[vector<16xi32>, vector<16xi32>], vector<16xf32>,
        %get3A_751 = arith.index_cast %scan3A_744 : i32 to index
        %get3A_752 = arith.constant 32 : index
        %get3A_753 = tpu.vector_load %arg7[%get3A_751, %get3A_752] {strides = array<i32>} : memref<128x64xf32, #tpu.memory_space<vmem>>, vector<16xf32>,
        tpu.vector_store_idx %arg9[%add3A_594, %add3A_742], %get3A_753 : memref<64x129xf32, #tpu.memory_space<vmem>>[vector<16xi32>, vector<16xi32>], vector<16xf32>,
        %get3A_754 = arith.index_cast %scan3A_744 : i32 to index
        %get3A_755 = arith.constant 48 : index
        %get3A_756 = tpu.vector_load %arg7[%get3A_754, %get3A_755] {strides = array<i32>} : memref<128x64xf32, #tpu.memory_space<vmem>>, vector<16xf32>,
        tpu.vector_store_idx %arg9[%add3A_597, %add3A_742], %get3A_756 : memref<64x129xf32, #tpu.memory_space<vmem>>[vector<16xi32>, vector<16xi32>], vector<16xf32>,
        %add3A_757 = arith.constant 1 : i32
        %add3A_758 = vector.broadcast %add3A_757 : i32 to vector<16xi32>
        %add3A_759 = arith.addi %add3A_742, %add3A_758 : vector<16xi32>
        %scan3A_760 = arith.constant 2 : i32
        %scan3A_761 = arith.addi %scan3A_727, %scan3A_760 : i32
        %get3A_762 = arith.index_cast %scan3A_761 : i32 to index
        %get3A_763 = arith.constant 0 : index
        %get3A_764 = tpu.vector_load %arg7[%get3A_762, %get3A_763] {strides = array<i32>} : memref<128x64xf32, #tpu.memory_space<vmem>>, vector<16xf32>,
        tpu.vector_store_idx %arg9[%add3A_588, %add3A_759], %get3A_764 : memref<64x129xf32, #tpu.memory_space<vmem>>[vector<16xi32>, vector<16xi32>], vector<16xf32>,
        %get3A_765 = arith.index_cast %scan3A_761 : i32 to index
        %get3A_766 = arith.constant 16 : index
        %get3A_767 = tpu.vector_load %arg7[%get3A_765, %get3A_766] {strides = array<i32>} : memref<128x64xf32, #tpu.memory_space<vmem>>, vector<16xf32>,
        tpu.vector_store_idx %arg9[%add3A_591, %add3A_759], %get3A_767 : memref<64x129xf32, #tpu.memory_space<vmem>>[vector<16xi32>, vector<16xi32>], vector<16xf32>,
        %get3A_768 = arith.index_cast %scan3A_761 : i32 to index
        %get3A_769 = arith.constant 32 : index
        %get3A_770 = tpu.vector_load %arg7[%get3A_768, %get3A_769] {strides = array<i32>} : memref<128x64xf32, #tpu.memory_space<vmem>>, vector<16xf32>,
        tpu.vector_store_idx %arg9[%add3A_594, %add3A_759], %get3A_770 : memref<64x129xf32, #tpu.memory_space<vmem>>[vector<16xi32>, vector<16xi32>], vector<16xf32>,
        %get3A_771 = arith.index_cast %scan3A_761 : i32 to index
        %get3A_772 = arith.constant 48 : index
        %get3A_773 = tpu.vector_load %arg7[%get3A_771, %get3A_772] {strides = array<i32>} : memref<128x64xf32, #tpu.memory_space<vmem>>, vector<16xf32>,
        tpu.vector_store_idx %arg9[%add3A_597, %add3A_759], %get3A_773 : memref<64x129xf32, #tpu.memory_space<vmem>>[vector<16xi32>, vector<16xi32>], vector<16xf32>,
        %add3A_774 = arith.constant 1 : i32
        %add3A_775 = vector.broadcast %add3A_774 : i32 to vector<16xi32>
        %add3A_776 = arith.addi %add3A_759, %add3A_775 : vector<16xi32>
        %scan3A_777 = arith.constant 3 : i32
        %scan3A_778 = arith.addi %scan3A_727, %scan3A_777 : i32
        %get3A_779 = arith.index_cast %scan3A_778 : i32 to index
        %get3A_780 = arith.constant 0 : index
        %get3A_781 = tpu.vector_load %arg7[%get3A_779, %get3A_780] {strides = array<i32>} : memref<128x64xf32, #tpu.memory_space<vmem>>, vector<16xf32>,
        tpu.vector_store_idx %arg9[%add3A_588, %add3A_776], %get3A_781 : memref<64x129xf32, #tpu.memory_space<vmem>>[vector<16xi32>, vector<16xi32>], vector<16xf32>,
        %get3A_782 = arith.index_cast %scan3A_778 : i32 to index
        %get3A_783 = arith.constant 16 : index
        %get3A_784 = tpu.vector_load %arg7[%get3A_782, %get3A_783] {strides = array<i32>} : memref<128x64xf32, #tpu.memory_space<vmem>>, vector<16xf32>,
        tpu.vector_store_idx %arg9[%add3A_591, %add3A_776], %get3A_784 : memref<64x129xf32, #tpu.memory_space<vmem>>[vector<16xi32>, vector<16xi32>], vector<16xf32>,
        %get3A_785 = arith.index_cast %scan3A_778 : i32 to index
        %get3A_786 = arith.constant 32 : index
        %get3A_787 = tpu.vector_load %arg7[%get3A_785, %get3A_786] {strides = array<i32>} : memref<128x64xf32, #tpu.memory_space<vmem>>, vector<16xf32>,
        tpu.vector_store_idx %arg9[%add3A_594, %add3A_776], %get3A_787 : memref<64x129xf32, #tpu.memory_space<vmem>>[vector<16xi32>, vector<16xi32>], vector<16xf32>,
        %get3A_788 = arith.index_cast %scan3A_778 : i32 to index
        %get3A_789 = arith.constant 48 : index
        %get3A_790 = tpu.vector_load %arg7[%get3A_788, %get3A_789] {strides = array<i32>} : memref<128x64xf32, #tpu.memory_space<vmem>>, vector<16xf32>,
        tpu.vector_store_idx %arg9[%add3A_597, %add3A_776], %get3A_790 : memref<64x129xf32, #tpu.memory_space<vmem>>[vector<16xi32>, vector<16xi32>], vector<16xf32>,
        %add3A_791 = arith.constant 1 : i32
        %add3A_792 = vector.broadcast %add3A_791 : i32 to vector<16xi32>
        %add3A_793 = arith.addi %add3A_776, %add3A_792 : vector<16xi32>
        scf.yield %add3A_793 : vector<16xi32>
      }
      %scan3A_606 = arith.constant 128 : i32
      %dma_start3A_607 = arith.constant 0 : i32
      %dma_start3A_608 = arith.constant 0 : i32
      %dma_start3A_609 = arith.constant 0 : i32
      %dma_start3A_610 = tpu.memref_slice %arg9[%dma_start3A_608, %dma_start3A_609] : memref<64x129xf32, #tpu.memory_space<vmem>> -> memref<8x128xf32, #tpu.memory_space<vmem>>
      %dma_start3A_611 = arith.constant 0 : i32
      %dma_start3A_612 = arith.constant 0 : i32
      %dma_start3A_613 = tpu.memref_slice %arg4[%select_n3A_568, %dma_start3A_607, %select_n3A_584, %dma_start3A_611, %dma_start3A_612] : memref<200x8x32x8x128xf32, #tpu.memory_space<hbm>> -> memref<1x1x1x8x128xf32, #tpu.memory_space<hbm>>
      %dma_start3A_614 = tpu.memref_squeeze %dma_start3A_613 : memref<1x1x1x8x128xf32, #tpu.memory_space<hbm>> -> memref<8x128xf32, #tpu.memory_space<hbm>>
      %dma_start3A_615 = arith.constant 0 : i32
      %dma_start3A_616 = arith.constant 0 : i32
      %dma_start3A_617 = tpu.memref_slice %arg4[%select_n3A_568, %dma_start3A_607, %select_n3A_584, %dma_start3A_615, %dma_start3A_616] : memref<200x8x32x8x128xf32, #tpu.memory_space<hbm>> -> memref<1x1x1x8x128xf32, #tpu.memory_space<hbm>>
      %dma_start3A_618 = tpu.memref_squeeze %dma_start3A_617 : memref<1x1x1x8x128xf32, #tpu.memory_space<hbm>> -> memref<8x128xf32, #tpu.memory_space<hbm>>
      %dma_start3A_619 = arith.constant 0 : i32
      %dma_start3A_620 = arith.constant 0 : i32
      %dma_start3A_621 = tpu.memref_slice %arg9[%dma_start3A_619, %dma_start3A_620] : memref<64x129xf32, #tpu.memory_space<vmem>> -> memref<8x128xf32, #tpu.memory_space<vmem>>
      tpu.enqueue_dma source(%dma_start3A_621 : memref<8x128xf32, #tpu.memory_space<vmem>>) target(%dma_start3A_618 : memref<8x128xf32, #tpu.memory_space<hbm>>) target_semaphore(%arg13 : memref<!tpu.dma_semaphore, #tpu.memory_space<semaphore_mem>>)
      %dma_start3A_622 = arith.constant 1 : i32
      %dma_start3A_623 = arith.constant 8 : i32
      %dma_start3A_624 = arith.constant 0 : i32
      %dma_start3A_625 = tpu.memref_slice %arg9[%dma_start3A_623, %dma_start3A_624] : memref<64x129xf32, #tpu.memory_space<vmem>> -> memref<8x128xf32, #tpu.memory_space<vmem>>
      %dma_start3A_626 = arith.constant 0 : i32
      %dma_start3A_627 = arith.constant 0 : i32
      %dma_start3A_628 = tpu.memref_slice %arg4[%select_n3A_568, %dma_start3A_622, %select_n3A_584, %dma_start3A_626, %dma_start3A_627] : memref<200x8x32x8x128xf32, #tpu.memory_space<hbm>> -> memref<1x1x1x8x128xf32, #tpu.memory_space<hbm>>
      %dma_start3A_629 = tpu.memref_squeeze %dma_start3A_628 : memref<1x1x1x8x128xf32, #tpu.memory_space<hbm>> -> memref<8x128xf32, #tpu.memory_space<hbm>>
      %dma_start3A_630 = arith.constant 0 : i32
      %dma_start3A_631 = arith.constant 0 : i32
      %dma_start3A_632 = tpu.memref_slice %arg4[%select_n3A_568, %dma_start3A_622, %select_n3A_584, %dma_start3A_630, %dma_start3A_631] : memref<200x8x32x8x128xf32, #tpu.memory_space<hbm>> -> memref<1x1x1x8x128xf32, #tpu.memory_space<hbm>>
      %dma_start3A_633 = tpu.memref_squeeze %dma_start3A_632 : memref<1x1x1x8x128xf32, #tpu.memory_space<hbm>> -> memref<8x128xf32, #tpu.memory_space<hbm>>
      %dma_start3A_634 = arith.constant 8 : i32
      %dma_start3A_635 = arith.constant 0 : i32
      %dma_start3A_636 = tpu.memref_slice %arg9[%dma_start3A_634, %dma_start3A_635] : memref<64x129xf32, #tpu.memory_space<vmem>> -> memref<8x128xf32, #tpu.memory_space<vmem>>
      tpu.enqueue_dma source(%dma_start3A_636 : memref<8x128xf32, #tpu.memory_space<vmem>>) target(%dma_start3A_633 : memref<8x128xf32, #tpu.memory_space<hbm>>) target_semaphore(%arg13 : memref<!tpu.dma_semaphore, #tpu.memory_space<semaphore_mem>>)
      %dma_start3A_637 = arith.constant 2 : i32
      %dma_start3A_638 = arith.constant 16 : i32
      %dma_start3A_639 = arith.constant 0 : i32
      %dma_start3A_640 = tpu.memref_slice %arg9[%dma_start3A_638, %dma_start3A_639] : memref<64x129xf32, #tpu.memory_space<vmem>> -> memref<8x128xf32, #tpu.memory_space<vmem>>
      %dma_start3A_641 = arith.constant 0 : i32
      %dma_start3A_642 = arith.constant 0 : i32
      %dma_start3A_643 = tpu.memref_slice %arg4[%select_n3A_568, %dma_start3A_637, %select_n3A_584, %dma_start3A_641, %dma_start3A_642] : memref<200x8x32x8x128xf32, #tpu.memory_space<hbm>> -> memref<1x1x1x8x128xf32, #tpu.memory_space<hbm>>
      %dma_start3A_644 = tpu.memref_squeeze %dma_start3A_643 : memref<1x1x1x8x128xf32, #tpu.memory_space<hbm>> -> memref<8x128xf32, #tpu.memory_space<hbm>>
      %dma_start3A_645 = arith.constant 0 : i32
      %dma_start3A_646 = arith.constant 0 : i32
      %dma_start3A_647 = tpu.memref_slice %arg4[%select_n3A_568, %dma_start3A_637, %select_n3A_584, %dma_start3A_645, %dma_start3A_646] : memref<200x8x32x8x128xf32, #tpu.memory_space<hbm>> -> memref<1x1x1x8x128xf32, #tpu.memory_space<hbm>>
      %dma_start3A_648 = tpu.memref_squeeze %dma_start3A_647 : memref<1x1x1x8x128xf32, #tpu.memory_space<hbm>> -> memref<8x128xf32, #tpu.memory_space<hbm>>
      %dma_start3A_649 = arith.constant 16 : i32
      %dma_start3A_650 = arith.constant 0 : i32
      %dma_start3A_651 = tpu.memref_slice %arg9[%dma_start3A_649, %dma_start3A_650] : memref<64x129xf32, #tpu.memory_space<vmem>> -> memref<8x128xf32, #tpu.memory_space<vmem>>
      tpu.enqueue_dma source(%dma_start3A_651 : memref<8x128xf32, #tpu.memory_space<vmem>>) target(%dma_start3A_648 : memref<8x128xf32, #tpu.memory_space<hbm>>) target_semaphore(%arg13 : memref<!tpu.dma_semaphore, #tpu.memory_space<semaphore_mem>>)
      %dma_start3A_652 = arith.constant 3 : i32
      %dma_start3A_653 = arith.constant 24 : i32
      %dma_start3A_654 = arith.constant 0 : i32
      %dma_start3A_655 = tpu.memref_slice %arg9[%dma_start3A_653, %dma_start3A_654] : memref<64x129xf32, #tpu.memory_space<vmem>> -> memref<8x128xf32, #tpu.memory_space<vmem>>
      %dma_start3A_656 = arith.constant 0 : i32
      %dma_start3A_657 = arith.constant 0 : i32
      %dma_start3A_658 = tpu.memref_slice %arg4[%select_n3A_568, %dma_start3A_652, %select_n3A_584, %dma_start3A_656, %dma_start3A_657] : memref<200x8x32x8x128xf32, #tpu.memory_space<hbm>> -> memref<1x1x1x8x128xf32, #tpu.memory_space<hbm>>
      %dma_start3A_659 = tpu.memref_squeeze %dma_start3A_658 : memref<1x1x1x8x128xf32, #tpu.memory_space<hbm>> -> memref<8x128xf32, #tpu.memory_space<hbm>>
      %dma_start3A_660 = arith.constant 0 : i32
      %dma_start3A_661 = arith.constant 0 : i32
      %dma_start3A_662 = tpu.memref_slice %arg4[%select_n3A_568, %dma_start3A_652, %select_n3A_584, %dma_start3A_660, %dma_start3A_661] : memref<200x8x32x8x128xf32, #tpu.memory_space<hbm>> -> memref<1x1x1x8x128xf32, #tpu.memory_space<hbm>>
      %dma_start3A_663 = tpu.memref_squeeze %dma_start3A_662 : memref<1x1x1x8x128xf32, #tpu.memory_space<hbm>> -> memref<8x128xf32, #tpu.memory_space<hbm>>
      %dma_start3A_664 = arith.constant 24 : i32
      %dma_start3A_665 = arith.constant 0 : i32
      %dma_start3A_666 = tpu.memref_slice %arg9[%dma_start3A_664, %dma_start3A_665] : memref<64x129xf32, #tpu.memory_space<vmem>> -> memref<8x128xf32, #tpu.memory_space<vmem>>
      tpu.enqueue_dma source(%dma_start3A_666 : memref<8x128xf32, #tpu.memory_space<vmem>>) target(%dma_start3A_663 : memref<8x128xf32, #tpu.memory_space<hbm>>) target_semaphore(%arg13 : memref<!tpu.dma_semaphore, #tpu.memory_space<semaphore_mem>>)
      %dma_start3A_667 = arith.constant 4 : i32
      %dma_start3A_668 = arith.constant 32 : i32
      %dma_start3A_669 = arith.constant 0 : i32
      %dma_start3A_670 = tpu.memref_slice %arg9[%dma_start3A_668, %dma_start3A_669] : memref<64x129xf32, #tpu.memory_space<vmem>> -> memref<8x128xf32, #tpu.memory_space<vmem>>
      %dma_start3A_671 = arith.constant 0 : i32
      %dma_start3A_672 = arith.constant 0 : i32
      %dma_start3A_673 = tpu.memref_slice %arg4[%select_n3A_568, %dma_start3A_667, %select_n3A_584, %dma_start3A_671, %dma_start3A_672] : memref<200x8x32x8x128xf32, #tpu.memory_space<hbm>> -> memref<1x1x1x8x128xf32, #tpu.memory_space<hbm>>
      %dma_start3A_674 = tpu.memref_squeeze %dma_start3A_673 : memref<1x1x1x8x128xf32, #tpu.memory_space<hbm>> -> memref<8x128xf32, #tpu.memory_space<hbm>>
      %dma_start3A_675 = arith.constant 0 : i32
      %dma_start3A_676 = arith.constant 0 : i32
      %dma_start3A_677 = tpu.memref_slice %arg4[%select_n3A_568, %dma_start3A_667, %select_n3A_584, %dma_start3A_675, %dma_start3A_676] : memref<200x8x32x8x128xf32, #tpu.memory_space<hbm>> -> memref<1x1x1x8x128xf32, #tpu.memory_space<hbm>>
      %dma_start3A_678 = tpu.memref_squeeze %dma_start3A_677 : memref<1x1x1x8x128xf32, #tpu.memory_space<hbm>> -> memref<8x128xf32, #tpu.memory_space<hbm>>
      %dma_start3A_679 = arith.constant 32 : i32
      %dma_start3A_680 = arith.constant 0 : i32
      %dma_start3A_681 = tpu.memref_slice %arg9[%dma_start3A_679, %dma_start3A_680] : memref<64x129xf32, #tpu.memory_space<vmem>> -> memref<8x128xf32, #tpu.memory_space<vmem>>
      tpu.enqueue_dma source(%dma_start3A_681 : memref<8x128xf32, #tpu.memory_space<vmem>>) target(%dma_start3A_678 : memref<8x128xf32, #tpu.memory_space<hbm>>) target_semaphore(%arg13 : memref<!tpu.dma_semaphore, #tpu.memory_space<semaphore_mem>>)
      %dma_start3A_682 = arith.constant 5 : i32
      %dma_start3A_683 = arith.constant 40 : i32
      %dma_start3A_684 = arith.constant 0 : i32
      %dma_start3A_685 = tpu.memref_slice %arg9[%dma_start3A_683, %dma_start3A_684] : memref<64x129xf32, #tpu.memory_space<vmem>> -> memref<8x128xf32, #tpu.memory_space<vmem>>
      %dma_start3A_686 = arith.constant 0 : i32
      %dma_start3A_687 = arith.constant 0 : i32
      %dma_start3A_688 = tpu.memref_slice %arg4[%select_n3A_568, %dma_start3A_682, %select_n3A_584, %dma_start3A_686, %dma_start3A_687] : memref<200x8x32x8x128xf32, #tpu.memory_space<hbm>> -> memref<1x1x1x8x128xf32, #tpu.memory_space<hbm>>
      %dma_start3A_689 = tpu.memref_squeeze %dma_start3A_688 : memref<1x1x1x8x128xf32, #tpu.memory_space<hbm>> -> memref<8x128xf32, #tpu.memory_space<hbm>>
      %dma_start3A_690 = arith.constant 0 : i32
      %dma_start3A_691 = arith.constant 0 : i32
      %dma_start3A_692 = tpu.memref_slice %arg4[%select_n3A_568, %dma_start3A_682, %select_n3A_584, %dma_start3A_690, %dma_start3A_691] : memref<200x8x32x8x128xf32, #tpu.memory_space<hbm>> -> memref<1x1x1x8x128xf32, #tpu.memory_space<hbm>>
      %dma_start3A_693 = tpu.memref_squeeze %dma_start3A_692 : memref<1x1x1x8x128xf32, #tpu.memory_space<hbm>> -> memref<8x128xf32, #tpu.memory_space<hbm>>
      %dma_start3A_694 = arith.constant 40 : i32
      %dma_start3A_695 = arith.constant 0 : i32
      %dma_start3A_696 = tpu.memref_slice %arg9[%dma_start3A_694, %dma_start3A_695] : memref<64x129xf32, #tpu.memory_space<vmem>> -> memref<8x128xf32, #tpu.memory_space<vmem>>
      tpu.enqueue_dma source(%dma_start3A_696 : memref<8x128xf32, #tpu.memory_space<vmem>>) target(%dma_start3A_693 : memref<8x128xf32, #tpu.memory_space<hbm>>) target_semaphore(%arg13 : memref<!tpu.dma_semaphore, #tpu.memory_space<semaphore_mem>>)
      %dma_start3A_697 = arith.constant 6 : i32
      %dma_start3A_698 = arith.constant 48 : i32
      %dma_start3A_699 = arith.constant 0 : i32
      %dma_start3A_700 = tpu.memref_slice %arg9[%dma_start3A_698, %dma_start3A_699] : memref<64x129xf32, #tpu.memory_space<vmem>> -> memref<8x128xf32, #tpu.memory_space<vmem>>
      %dma_start3A_701 = arith.constant 0 : i32
      %dma_start3A_702 = arith.constant 0 : i32
      %dma_start3A_703 = tpu.memref_slice %arg4[%select_n3A_568, %dma_start3A_697, %select_n3A_584, %dma_start3A_701, %dma_start3A_702] : memref<200x8x32x8x128xf32, #tpu.memory_space<hbm>> -> memref<1x1x1x8x128xf32, #tpu.memory_space<hbm>>
      %dma_start3A_704 = tpu.memref_squeeze %dma_start3A_703 : memref<1x1x1x8x128xf32, #tpu.memory_space<hbm>> -> memref<8x128xf32, #tpu.memory_space<hbm>>
      %dma_start3A_705 = arith.constant 0 : i32
      %dma_start3A_706 = arith.constant 0 : i32
      %dma_start3A_707 = tpu.memref_slice %arg4[%select_n3A_568, %dma_start3A_697, %select_n3A_584, %dma_start3A_705, %dma_start3A_706] : memref<200x8x32x8x128xf32, #tpu.memory_space<hbm>> -> memref<1x1x1x8x128xf32, #tpu.memory_space<hbm>>
      %dma_start3A_708 = tpu.memref_squeeze %dma_start3A_707 : memref<1x1x1x8x128xf32, #tpu.memory_space<hbm>> -> memref<8x128xf32, #tpu.memory_space<hbm>>
      %dma_start3A_709 = arith.constant 48 : i32
      %dma_start3A_710 = arith.constant 0 : i32
      %dma_start3A_711 = tpu.memref_slice %arg9[%dma_start3A_709, %dma_start3A_710] : memref<64x129xf32, #tpu.memory_space<vmem>> -> memref<8x128xf32, #tpu.memory_space<vmem>>
      tpu.enqueue_dma source(%dma_start3A_711 : memref<8x128xf32, #tpu.memory_space<vmem>>) target(%dma_start3A_708 : memref<8x128xf32, #tpu.memory_space<hbm>>) target_semaphore(%arg13 : memref<!tpu.dma_semaphore, #tpu.memory_space<semaphore_mem>>)
      %dma_start3A_712 = arith.constant 7 : i32
      %dma_start3A_713 = arith.constant 56 : i32
      %dma_start3A_714 = arith.constant 0 : i32
      %dma_start3A_715 = tpu.memref_slice %arg9[%dma_start3A_713, %dma_start3A_714] : memref<64x129xf32, #tpu.memory_space<vmem>> -> memref<8x128xf32, #tpu.memory_space<vmem>>
      %dma_start3A_716 = arith.constant 0 : i32
      %dma_start3A_717 = arith.constant 0 : i32
      %dma_start3A_718 = tpu.memref_slice %arg4[%select_n3A_568, %dma_start3A_712, %select_n3A_584, %dma_start3A_716, %dma_start3A_717] : memref<200x8x32x8x128xf32, #tpu.memory_space<hbm>> -> memref<1x1x1x8x128xf32, #tpu.memory_space<hbm>>
      %dma_start3A_719 = tpu.memref_squeeze %dma_start3A_718 : memref<1x1x1x8x128xf32, #tpu.memory_space<hbm>> -> memref<8x128xf32, #tpu.memory_space<hbm>>
      %dma_start3A_720 = arith.constant 0 : i32
      %dma_start3A_721 = arith.constant 0 : i32
      %dma_start3A_722 = tpu.memref_slice %arg4[%select_n3A_568, %dma_start3A_712, %select_n3A_584, %dma_start3A_720, %dma_start3A_721] : memref<200x8x32x8x128xf32, #tpu.memory_space<hbm>> -> memref<1x1x1x8x128xf32, #tpu.memory_space<hbm>>
      %dma_start3A_723 = tpu.memref_squeeze %dma_start3A_722 : memref<1x1x1x8x128xf32, #tpu.memory_space<hbm>> -> memref<8x128xf32, #tpu.memory_space<hbm>>
      %dma_start3A_724 = arith.constant 56 : i32
      %dma_start3A_725 = arith.constant 0 : i32
      %dma_start3A_726 = tpu.memref_slice %arg9[%dma_start3A_724, %dma_start3A_725] : memref<64x129xf32, #tpu.memory_space<vmem>> -> memref<8x128xf32, #tpu.memory_space<vmem>>
      tpu.enqueue_dma source(%dma_start3A_726 : memref<8x128xf32, #tpu.memory_space<vmem>>) target(%dma_start3A_723 : memref<8x128xf32, #tpu.memory_space<hbm>>) target_semaphore(%arg13 : memref<!tpu.dma_semaphore, #tpu.memory_space<semaphore_mem>>)
    }
    %scan3A_13 = arith.constant 100 : i32
    %add3A_14 = arith.constant 198 : i32
    %add3A_15 = arith.addi %mul3A_4, %add3A_14 : i32
    %jit3A = arith.constant 32 : i32
    %div3A = arith.divsi %add3A_15, %jit3A : i32
    %sign3A = arith.constant 0 : i32
    %sign3A_16 = arith.cmpi sgt, %add3A_15, %sign3A : i32
    %sign3A_17 = arith.extui %sign3A_16 : i1 to i32
    %sign3A_18 = arith.constant 0 : i32
    %sign3A_19 = arith.cmpi slt, %add3A_15, %sign3A_18 : i32
    %sign3A_20 = arith.extui %sign3A_19 : i1 to i32
    %sign3A_21 = arith.subi %sign3A_17, %sign3A_20 : i32
    %sign3A_22 = arith.constant 0 : i32
    %sign3A_23 = arith.cmpi sgt, %jit3A, %sign3A_22 : i32
    %sign3A_24 = arith.extui %sign3A_23 : i1 to i32
    %sign3A_25 = arith.constant 0 : i32
    %sign3A_26 = arith.cmpi slt, %jit3A, %sign3A_25 : i32
    %sign3A_27 = arith.extui %sign3A_26 : i1 to i32
    %sign3A_28 = arith.subi %sign3A_24, %sign3A_27 : i32
    %ne3A = arith.cmpi ne, %sign3A_21, %sign3A_28 : i32
    %rem3A = arith.remsi %add3A_15, %jit3A : i32
    %ne3A_29 = arith.constant 0 : i32
    %ne3A_30 = arith.cmpi ne, %rem3A, %ne3A_29 : i32
    %and3A = arith.andi %ne3A, %ne3A_30 : i1
    %sub3A = arith.constant 1 : i32
    %sub3A_31 = arith.subi %div3A, %sub3A : i32
    %select_n3A = arith.select %and3A, %sub3A_31, %div3A : i32
    %jit3A_32 = arith.constant 32 : i32
    %eq3A = arith.constant 0 : i32
    %eq3A_33 = arith.cmpi eq, %jit3A_32, %eq3A : i32
    %jit3A_34 = arith.constant 1 : i32
    %select_n3A_35 = arith.select %eq3A_33, %jit3A_34, %jit3A_32 : i32
    %rem3A_36 = arith.remsi %add3A_15, %select_n3A_35 : i32
    %ne3A_37 = arith.constant 0 : i32
    %ne3A_38 = arith.cmpi ne, %rem3A_36, %ne3A_37 : i32
    %lt3A = arith.constant 0 : i32
    %lt3A_39 = arith.cmpi slt, %rem3A_36, %lt3A : i32
    %lt3A_40 = arith.constant 0 : i32
    %lt3A_41 = arith.cmpi slt, %select_n3A_35, %lt3A_40 : i32
    %ne3A_42 = arith.xori %lt3A_39, %lt3A_41 : i1
    %and3A_43 = arith.andi %ne3A_42, %ne3A_38 : i1
    %add3A_44 = arith.addi %rem3A_36, %select_n3A_35 : i32
    %select_n3A_45 = arith.select %and3A_43, %add3A_44, %rem3A_36 : i32
    %dma_wait3A = arith.constant 0 : i32
    %dma_wait3A_46 = arith.constant 0 : i32
    %dma_wait3A_47 = arith.constant 0 : i32
    %dma_wait3A_48 = tpu.memref_slice %arg8[%dma_wait3A_46, %dma_wait3A_47] : memref<64x129xf32, #tpu.memory_space<vmem>> -> memref<8x128xf32, #tpu.memory_space<vmem>>
    %dma_wait3A_49 = arith.constant 0 : i32
    %dma_wait3A_50 = arith.constant 0 : i32
    %dma_wait3A_51 = tpu.memref_slice %arg4[%select_n3A, %dma_wait3A, %select_n3A_45, %dma_wait3A_49, %dma_wait3A_50] : memref<200x8x32x8x128xf32, #tpu.memory_space<hbm>> -> memref<1x1x1x8x128xf32, #tpu.memory_space<hbm>>
    %dma_wait3A_52 = tpu.memref_squeeze %dma_wait3A_51 : memref<1x1x1x8x128xf32, #tpu.memory_space<hbm>> -> memref<8x128xf32, #tpu.memory_space<hbm>>
    %dma_wait3A_53 = arith.constant 0 : i32
    %dma_wait3A_54 = arith.constant 0 : i32
    %dma_wait3A_55 = tpu.memref_slice %arg4[%select_n3A, %dma_wait3A, %select_n3A_45, %dma_wait3A_53, %dma_wait3A_54] : memref<200x8x32x8x128xf32, #tpu.memory_space<hbm>> -> memref<1x1x1x8x128xf32, #tpu.memory_space<hbm>>
    %dma_wait3A_56 = tpu.memref_squeeze %dma_wait3A_55 : memref<1x1x1x8x128xf32, #tpu.memory_space<hbm>> -> memref<8x128xf32, #tpu.memory_space<hbm>>
    %dma_wait3A_57 = arith.constant 0 : i32
    %dma_wait3A_58 = arith.constant 0 : i32
    %dma_wait3A_59 = tpu.memref_slice %arg8[%dma_wait3A_57, %dma_wait3A_58] : memref<64x129xf32, #tpu.memory_space<vmem>> -> memref<8x128xf32, #tpu.memory_space<vmem>>
    tpu.wait_dma2 semaphore(%arg12 : memref<!tpu.dma_semaphore, #tpu.memory_space<semaphore_mem>>) src(%dma_wait3A_59 : memref<8x128xf32, #tpu.memory_space<vmem>>) dst(%dma_wait3A_56 : memref<8x128xf32, #tpu.memory_space<hbm>>)
    %dma_wait3A_60 = arith.constant 1 : i32
    %dma_wait3A_61 = arith.constant 8 : i32
    %dma_wait3A_62 = arith.constant 0 : i32
    %dma_wait3A_63 = tpu.memref_slice %arg8[%dma_wait3A_61, %dma_wait3A_62] : memref<64x129xf32, #tpu.memory_space<vmem>> -> memref<8x128xf32, #tpu.memory_space<vmem>>
    %dma_wait3A_64 = arith.constant 0 : i32
    %dma_wait3A_65 = arith.constant 0 : i32
    %dma_wait3A_66 = tpu.memref_slice %arg4[%select_n3A, %dma_wait3A_60, %select_n3A_45, %dma_wait3A_64, %dma_wait3A_65] : memref<200x8x32x8x128xf32, #tpu.memory_space<hbm>> -> memref<1x1x1x8x128xf32, #tpu.memory_space<hbm>>
    %dma_wait3A_67 = tpu.memref_squeeze %dma_wait3A_66 : memref<1x1x1x8x128xf32, #tpu.memory_space<hbm>> -> memref<8x128xf32, #tpu.memory_space<hbm>>
    %dma_wait3A_68 = arith.constant 0 : i32
    %dma_wait3A_69 = arith.constant 0 : i32
    %dma_wait3A_70 = tpu.memref_slice %arg4[%select_n3A, %dma_wait3A_60, %select_n3A_45, %dma_wait3A_68, %dma_wait3A_69] : memref<200x8x32x8x128xf32, #tpu.memory_space<hbm>> -> memref<1x1x1x8x128xf32, #tpu.memory_space<hbm>>
    %dma_wait3A_71 = tpu.memref_squeeze %dma_wait3A_70 : memref<1x1x1x8x128xf32, #tpu.memory_space<hbm>> -> memref<8x128xf32, #tpu.memory_space<hbm>>
    %dma_wait3A_72 = arith.constant 8 : i32
    %dma_wait3A_73 = arith.constant 0 : i32
    %dma_wait3A_74 = tpu.memref_slice %arg8[%dma_wait3A_72, %dma_wait3A_73] : memref<64x129xf32, #tpu.memory_space<vmem>> -> memref<8x128xf32, #tpu.memory_space<vmem>>
    tpu.wait_dma2 semaphore(%arg12 : memref<!tpu.dma_semaphore, #tpu.memory_space<semaphore_mem>>) src(%dma_wait3A_74 : memref<8x128xf32, #tpu.memory_space<vmem>>) dst(%dma_wait3A_71 : memref<8x128xf32, #tpu.memory_space<hbm>>)
    %dma_wait3A_75 = arith.constant 2 : i32
    %dma_wait3A_76 = arith.constant 16 : i32
    %dma_wait3A_77 = arith.constant 0 : i32
    %dma_wait3A_78 = tpu.memref_slice %arg8[%dma_wait3A_76, %dma_wait3A_77] : memref<64x129xf32, #tpu.memory_space<vmem>> -> memref<8x128xf32, #tpu.memory_space<vmem>>
    %dma_wait3A_79 = arith.constant 0 : i32
    %dma_wait3A_80 = arith.constant 0 : i32
    %dma_wait3A_81 = tpu.memref_slice %arg4[%select_n3A, %dma_wait3A_75, %select_n3A_45, %dma_wait3A_79, %dma_wait3A_80] : memref<200x8x32x8x128xf32, #tpu.memory_space<hbm>> -> memref<1x1x1x8x128xf32, #tpu.memory_space<hbm>>
    %dma_wait3A_82 = tpu.memref_squeeze %dma_wait3A_81 : memref<1x1x1x8x128xf32, #tpu.memory_space<hbm>> -> memref<8x128xf32, #tpu.memory_space<hbm>>
    %dma_wait3A_83 = arith.constant 0 : i32
    %dma_wait3A_84 = arith.constant 0 : i32
    %dma_wait3A_85 = tpu.memref_slice %arg4[%select_n3A, %dma_wait3A_75, %select_n3A_45, %dma_wait3A_83, %dma_wait3A_84] : memref<200x8x32x8x128xf32, #tpu.memory_space<hbm>> -> memref<1x1x1x8x128xf32, #tpu.memory_space<hbm>>
    %dma_wait3A_86 = tpu.memref_squeeze %dma_wait3A_85 : memref<1x1x1x8x128xf32, #tpu.memory_space<hbm>> -> memref<8x128xf32, #tpu.memory_space<hbm>>
    %dma_wait3A_87 = arith.constant 16 : i32
    %dma_wait3A_88 = arith.constant 0 : i32
    %dma_wait3A_89 = tpu.memref_slice %arg8[%dma_wait3A_87, %dma_wait3A_88] : memref<64x129xf32, #tpu.memory_space<vmem>> -> memref<8x128xf32, #tpu.memory_space<vmem>>
    tpu.wait_dma2 semaphore(%arg12 : memref<!tpu.dma_semaphore, #tpu.memory_space<semaphore_mem>>) src(%dma_wait3A_89 : memref<8x128xf32, #tpu.memory_space<vmem>>) dst(%dma_wait3A_86 : memref<8x128xf32, #tpu.memory_space<hbm>>)
    %dma_wait3A_90 = arith.constant 3 : i32
    %dma_wait3A_91 = arith.constant 24 : i32
    %dma_wait3A_92 = arith.constant 0 : i32
    %dma_wait3A_93 = tpu.memref_slice %arg8[%dma_wait3A_91, %dma_wait3A_92] : memref<64x129xf32, #tpu.memory_space<vmem>> -> memref<8x128xf32, #tpu.memory_space<vmem>>
    %dma_wait3A_94 = arith.constant 0 : i32
    %dma_wait3A_95 = arith.constant 0 : i32
    %dma_wait3A_96 = tpu.memref_slice %arg4[%select_n3A, %dma_wait3A_90, %select_n3A_45, %dma_wait3A_94, %dma_wait3A_95] : memref<200x8x32x8x128xf32, #tpu.memory_space<hbm>> -> memref<1x1x1x8x128xf32, #tpu.memory_space<hbm>>
    %dma_wait3A_97 = tpu.memref_squeeze %dma_wait3A_96 : memref<1x1x1x8x128xf32, #tpu.memory_space<hbm>> -> memref<8x128xf32, #tpu.memory_space<hbm>>
    %dma_wait3A_98 = arith.constant 0 : i32
    %dma_wait3A_99 = arith.constant 0 : i32
    %dma_wait3A_100 = tpu.memref_slice %arg4[%select_n3A, %dma_wait3A_90, %select_n3A_45, %dma_wait3A_98, %dma_wait3A_99] : memref<200x8x32x8x128xf32, #tpu.memory_space<hbm>> -> memref<1x1x1x8x128xf32, #tpu.memory_space<hbm>>
    %dma_wait3A_101 = tpu.memref_squeeze %dma_wait3A_100 : memref<1x1x1x8x128xf32, #tpu.memory_space<hbm>> -> memref<8x128xf32, #tpu.memory_space<hbm>>
    %dma_wait3A_102 = arith.constant 24 : i32
    %dma_wait3A_103 = arith.constant 0 : i32
    %dma_wait3A_104 = tpu.memref_slice %arg8[%dma_wait3A_102, %dma_wait3A_103] : memref<64x129xf32, #tpu.memory_space<vmem>> -> memref<8x128xf32, #tpu.memory_space<vmem>>
    tpu.wait_dma2 semaphore(%arg12 : memref<!tpu.dma_semaphore, #tpu.memory_space<semaphore_mem>>) src(%dma_wait3A_104 : memref<8x128xf32, #tpu.memory_space<vmem>>) dst(%dma_wait3A_101 : memref<8x128xf32, #tpu.memory_space<hbm>>)
    %dma_wait3A_105 = arith.constant 4 : i32
    %dma_wait3A_106 = arith.constant 32 : i32
    %dma_wait3A_107 = arith.constant 0 : i32
    %dma_wait3A_108 = tpu.memref_slice %arg8[%dma_wait3A_106, %dma_wait3A_107] : memref<64x129xf32, #tpu.memory_space<vmem>> -> memref<8x128xf32, #tpu.memory_space<vmem>>
    %dma_wait3A_109 = arith.constant 0 : i32
    %dma_wait3A_110 = arith.constant 0 : i32
    %dma_wait3A_111 = tpu.memref_slice %arg4[%select_n3A, %dma_wait3A_105, %select_n3A_45, %dma_wait3A_109, %dma_wait3A_110] : memref<200x8x32x8x128xf32, #tpu.memory_space<hbm>> -> memref<1x1x1x8x128xf32, #tpu.memory_space<hbm>>
    %dma_wait3A_112 = tpu.memref_squeeze %dma_wait3A_111 : memref<1x1x1x8x128xf32, #tpu.memory_space<hbm>> -> memref<8x128xf32, #tpu.memory_space<hbm>>
    %dma_wait3A_113 = arith.constant 0 : i32
    %dma_wait3A_114 = arith.constant 0 : i32
    %dma_wait3A_115 = tpu.memref_slice %arg4[%select_n3A, %dma_wait3A_105, %select_n3A_45, %dma_wait3A_113, %dma_wait3A_114] : memref<200x8x32x8x128xf32, #tpu.memory_space<hbm>> -> memref<1x1x1x8x128xf32, #tpu.memory_space<hbm>>
    %dma_wait3A_116 = tpu.memref_squeeze %dma_wait3A_115 : memref<1x1x1x8x128xf32, #tpu.memory_space<hbm>> -> memref<8x128xf32, #tpu.memory_space<hbm>>
    %dma_wait3A_117 = arith.constant 32 : i32
    %dma_wait3A_118 = arith.constant 0 : i32
    %dma_wait3A_119 = tpu.memref_slice %arg8[%dma_wait3A_117, %dma_wait3A_118] : memref<64x129xf32, #tpu.memory_space<vmem>> -> memref<8x128xf32, #tpu.memory_space<vmem>>
    tpu.wait_dma2 semaphore(%arg12 : memref<!tpu.dma_semaphore, #tpu.memory_space<semaphore_mem>>) src(%dma_wait3A_119 : memref<8x128xf32, #tpu.memory_space<vmem>>) dst(%dma_wait3A_116 : memref<8x128xf32, #tpu.memory_space<hbm>>)
    %dma_wait3A_120 = arith.constant 5 : i32
    %dma_wait3A_121 = arith.constant 40 : i32
    %dma_wait3A_122 = arith.constant 0 : i32
    %dma_wait3A_123 = tpu.memref_slice %arg8[%dma_wait3A_121, %dma_wait3A_122] : memref<64x129xf32, #tpu.memory_space<vmem>> -> memref<8x128xf32, #tpu.memory_space<vmem>>
    %dma_wait3A_124 = arith.constant 0 : i32
    %dma_wait3A_125 = arith.constant 0 : i32
    %dma_wait3A_126 = tpu.memref_slice %arg4[%select_n3A, %dma_wait3A_120, %select_n3A_45, %dma_wait3A_124, %dma_wait3A_125] : memref<200x8x32x8x128xf32, #tpu.memory_space<hbm>> -> memref<1x1x1x8x128xf32, #tpu.memory_space<hbm>>
    %dma_wait3A_127 = tpu.memref_squeeze %dma_wait3A_126 : memref<1x1x1x8x128xf32, #tpu.memory_space<hbm>> -> memref<8x128xf32, #tpu.memory_space<hbm>>
    %dma_wait3A_128 = arith.constant 0 : i32
    %dma_wait3A_129 = arith.constant 0 : i32
    %dma_wait3A_130 = tpu.memref_slice %arg4[%select_n3A, %dma_wait3A_120, %select_n3A_45, %dma_wait3A_128, %dma_wait3A_129] : memref<200x8x32x8x128xf32, #tpu.memory_space<hbm>> -> memref<1x1x1x8x128xf32, #tpu.memory_space<hbm>>
    %dma_wait3A_131 = tpu.memref_squeeze %dma_wait3A_130 : memref<1x1x1x8x128xf32, #tpu.memory_space<hbm>> -> memref<8x128xf32, #tpu.memory_space<hbm>>
    %dma_wait3A_132 = arith.constant 40 : i32
    %dma_wait3A_133 = arith.constant 0 : i32
    %dma_wait3A_134 = tpu.memref_slice %arg8[%dma_wait3A_132, %dma_wait3A_133] : memref<64x129xf32, #tpu.memory_space<vmem>> -> memref<8x128xf32, #tpu.memory_space<vmem>>
    tpu.wait_dma2 semaphore(%arg12 : memref<!tpu.dma_semaphore, #tpu.memory_space<semaphore_mem>>) src(%dma_wait3A_134 : memref<8x128xf32, #tpu.memory_space<vmem>>) dst(%dma_wait3A_131 : memref<8x128xf32, #tpu.memory_space<hbm>>)
    %dma_wait3A_135 = arith.constant 6 : i32
    %dma_wait3A_136 = arith.constant 48 : i32
    %dma_wait3A_137 = arith.constant 0 : i32
    %dma_wait3A_138 = tpu.memref_slice %arg8[%dma_wait3A_136, %dma_wait3A_137] : memref<64x129xf32, #tpu.memory_space<vmem>> -> memref<8x128xf32, #tpu.memory_space<vmem>>
    %dma_wait3A_139 = arith.constant 0 : i32
    %dma_wait3A_140 = arith.constant 0 : i32
    %dma_wait3A_141 = tpu.memref_slice %arg4[%select_n3A, %dma_wait3A_135, %select_n3A_45, %dma_wait3A_139, %dma_wait3A_140] : memref<200x8x32x8x128xf32, #tpu.memory_space<hbm>> -> memref<1x1x1x8x128xf32, #tpu.memory_space<hbm>>
    %dma_wait3A_142 = tpu.memref_squeeze %dma_wait3A_141 : memref<1x1x1x8x128xf32, #tpu.memory_space<hbm>> -> memref<8x128xf32, #tpu.memory_space<hbm>>
    %dma_wait3A_143 = arith.constant 0 : i32
    %dma_wait3A_144 = arith.constant 0 : i32
    %dma_wait3A_145 = tpu.memref_slice %arg4[%select_n3A, %dma_wait3A_135, %select_n3A_45, %dma_wait3A_143, %dma_wait3A_144] : memref<200x8x32x8x128xf32, #tpu.memory_space<hbm>> -> memref<1x1x1x8x128xf32, #tpu.memory_space<hbm>>
    %dma_wait3A_146 = tpu.memref_squeeze %dma_wait3A_145 : memref<1x1x1x8x128xf32, #tpu.memory_space<hbm>> -> memref<8x128xf32, #tpu.memory_space<hbm>>
    %dma_wait3A_147 = arith.constant 48 : i32
    %dma_wait3A_148 = arith.constant 0 : i32
    %dma_wait3A_149 = tpu.memref_slice %arg8[%dma_wait3A_147, %dma_wait3A_148] : memref<64x129xf32, #tpu.memory_space<vmem>> -> memref<8x128xf32, #tpu.memory_space<vmem>>
    tpu.wait_dma2 semaphore(%arg12 : memref<!tpu.dma_semaphore, #tpu.memory_space<semaphore_mem>>) src(%dma_wait3A_149 : memref<8x128xf32, #tpu.memory_space<vmem>>) dst(%dma_wait3A_146 : memref<8x128xf32, #tpu.memory_space<hbm>>)
    %dma_wait3A_150 = arith.constant 7 : i32
    %dma_wait3A_151 = arith.constant 56 : i32
    %dma_wait3A_152 = arith.constant 0 : i32
    %dma_wait3A_153 = tpu.memref_slice %arg8[%dma_wait3A_151, %dma_wait3A_152] : memref<64x129xf32, #tpu.memory_space<vmem>> -> memref<8x128xf32, #tpu.memory_space<vmem>>
    %dma_wait3A_154 = arith.constant 0 : i32
    %dma_wait3A_155 = arith.constant 0 : i32
    %dma_wait3A_156 = tpu.memref_slice %arg4[%select_n3A, %dma_wait3A_150, %select_n3A_45, %dma_wait3A_154, %dma_wait3A_155] : memref<200x8x32x8x128xf32, #tpu.memory_space<hbm>> -> memref<1x1x1x8x128xf32, #tpu.memory_space<hbm>>
    %dma_wait3A_157 = tpu.memref_squeeze %dma_wait3A_156 : memref<1x1x1x8x128xf32, #tpu.memory_space<hbm>> -> memref<8x128xf32, #tpu.memory_space<hbm>>
    %dma_wait3A_158 = arith.constant 0 : i32
    %dma_wait3A_159 = arith.constant 0 : i32
    %dma_wait3A_160 = tpu.memref_slice %arg4[%select_n3A, %dma_wait3A_150, %select_n3A_45, %dma_wait3A_158, %dma_wait3A_159] : memref<200x8x32x8x128xf32, #tpu.memory_space<hbm>> -> memref<1x1x1x8x128xf32, #tpu.memory_space<hbm>>
    %dma_wait3A_161 = tpu.memref_squeeze %dma_wait3A_160 : memref<1x1x1x8x128xf32, #tpu.memory_space<hbm>> -> memref<8x128xf32, #tpu.memory_space<hbm>>
    %dma_wait3A_162 = arith.constant 56 : i32
    %dma_wait3A_163 = arith.constant 0 : i32
    %dma_wait3A_164 = tpu.memref_slice %arg8[%dma_wait3A_162, %dma_wait3A_163] : memref<64x129xf32, #tpu.memory_space<vmem>> -> memref<8x128xf32, #tpu.memory_space<vmem>>
    tpu.wait_dma2 semaphore(%arg12 : memref<!tpu.dma_semaphore, #tpu.memory_space<semaphore_mem>>) src(%dma_wait3A_164 : memref<8x128xf32, #tpu.memory_space<vmem>>) dst(%dma_wait3A_161 : memref<8x128xf32, #tpu.memory_space<hbm>>)
    %add3A_165 = arith.constant 199 : i32
    %add3A_166 = arith.addi %mul3A_4, %add3A_165 : i32
    %jit3A_167 = arith.constant 32 : i32
    %div3A_168 = arith.divsi %add3A_166, %jit3A_167 : i32
    %sign3A_169 = arith.constant 0 : i32
    %sign3A_170 = arith.cmpi sgt, %add3A_166, %sign3A_169 : i32
    %sign3A_171 = arith.extui %sign3A_170 : i1 to i32
    %sign3A_172 = arith.constant 0 : i32
    %sign3A_173 = arith.cmpi slt, %add3A_166, %sign3A_172 : i32
    %sign3A_174 = arith.extui %sign3A_173 : i1 to i32
    %sign3A_175 = arith.subi %sign3A_171, %sign3A_174 : i32
    %sign3A_176 = arith.constant 0 : i32
    %sign3A_177 = arith.cmpi sgt, %jit3A_167, %sign3A_176 : i32
    %sign3A_178 = arith.extui %sign3A_177 : i1 to i32
    %sign3A_179 = arith.constant 0 : i32
    %sign3A_180 = arith.cmpi slt, %jit3A_167, %sign3A_179 : i32
    %sign3A_181 = arith.extui %sign3A_180 : i1 to i32
    %sign3A_182 = arith.subi %sign3A_178, %sign3A_181 : i32
    %ne3A_183 = arith.cmpi ne, %sign3A_175, %sign3A_182 : i32
    %rem3A_184 = arith.remsi %add3A_166, %jit3A_167 : i32
    %ne3A_185 = arith.constant 0 : i32
    %ne3A_186 = arith.cmpi ne, %rem3A_184, %ne3A_185 : i32
    %and3A_187 = arith.andi %ne3A_183, %ne3A_186 : i1
    %sub3A_188 = arith.constant 1 : i32
    %sub3A_189 = arith.subi %div3A_168, %sub3A_188 : i32
    %select_n3A_190 = arith.select %and3A_187, %sub3A_189, %div3A_168 : i32
    %jit3A_191 = arith.constant 32 : i32
    %eq3A_192 = arith.constant 0 : i32
    %eq3A_193 = arith.cmpi eq, %jit3A_191, %eq3A_192 : i32
    %jit3A_194 = arith.constant 1 : i32
    %select_n3A_195 = arith.select %eq3A_193, %jit3A_194, %jit3A_191 : i32
    %rem3A_196 = arith.remsi %add3A_166, %select_n3A_195 : i32
    %ne3A_197 = arith.constant 0 : i32
    %ne3A_198 = arith.cmpi ne, %rem3A_196, %ne3A_197 : i32
    %lt3A_199 = arith.constant 0 : i32
    %lt3A_200 = arith.cmpi slt, %rem3A_196, %lt3A_199 : i32
    %lt3A_201 = arith.constant 0 : i32
    %lt3A_202 = arith.cmpi slt, %select_n3A_195, %lt3A_201 : i32
    %ne3A_203 = arith.xori %lt3A_200, %lt3A_202 : i1
    %and3A_204 = arith.andi %ne3A_203, %ne3A_198 : i1
    %add3A_205 = arith.addi %rem3A_196, %select_n3A_195 : i32
    %select_n3A_206 = arith.select %and3A_204, %add3A_205, %rem3A_196 : i32
    %dma_wait3A_207 = arith.constant 0 : i32
    %dma_wait3A_208 = arith.constant 0 : i32
    %dma_wait3A_209 = arith.constant 0 : i32
    %dma_wait3A_210 = tpu.memref_slice %arg9[%dma_wait3A_208, %dma_wait3A_209] : memref<64x129xf32, #tpu.memory_space<vmem>> -> memref<8x128xf32, #tpu.memory_space<vmem>>
    %dma_wait3A_211 = arith.constant 0 : i32
    %dma_wait3A_212 = arith.constant 0 : i32
    %dma_wait3A_213 = tpu.memref_slice %arg4[%select_n3A_190, %dma_wait3A_207, %select_n3A_206, %dma_wait3A_211, %dma_wait3A_212] : memref<200x8x32x8x128xf32, #tpu.memory_space<hbm>> -> memref<1x1x1x8x128xf32, #tpu.memory_space<hbm>>
    %dma_wait3A_214 = tpu.memref_squeeze %dma_wait3A_213 : memref<1x1x1x8x128xf32, #tpu.memory_space<hbm>> -> memref<8x128xf32, #tpu.memory_space<hbm>>
    %dma_wait3A_215 = arith.constant 0 : i32
    %dma_wait3A_216 = arith.constant 0 : i32
    %dma_wait3A_217 = tpu.memref_slice %arg4[%select_n3A_190, %dma_wait3A_207, %select_n3A_206, %dma_wait3A_215, %dma_wait3A_216] : memref<200x8x32x8x128xf32, #tpu.memory_space<hbm>> -> memref<1x1x1x8x128xf32, #tpu.memory_space<hbm>>
    %dma_wait3A_218 = tpu.memref_squeeze %dma_wait3A_217 : memref<1x1x1x8x128xf32, #tpu.memory_space<hbm>> -> memref<8x128xf32, #tpu.memory_space<hbm>>
    %dma_wait3A_219 = arith.constant 0 : i32
    %dma_wait3A_220 = arith.constant 0 : i32
    %dma_wait3A_221 = tpu.memref_slice %arg9[%dma_wait3A_219, %dma_wait3A_220] : memref<64x129xf32, #tpu.memory_space<vmem>> -> memref<8x128xf32, #tpu.memory_space<vmem>>
    tpu.wait_dma2 semaphore(%arg13 : memref<!tpu.dma_semaphore, #tpu.memory_space<semaphore_mem>>) src(%dma_wait3A_221 : memref<8x128xf32, #tpu.memory_space<vmem>>) dst(%dma_wait3A_218 : memref<8x128xf32, #tpu.memory_space<hbm>>)
    %dma_wait3A_222 = arith.constant 1 : i32
    %dma_wait3A_223 = arith.constant 8 : i32
    %dma_wait3A_224 = arith.constant 0 : i32
    %dma_wait3A_225 = tpu.memref_slice %arg9[%dma_wait3A_223, %dma_wait3A_224] : memref<64x129xf32, #tpu.memory_space<vmem>> -> memref<8x128xf32, #tpu.memory_space<vmem>>
    %dma_wait3A_226 = arith.constant 0 : i32
    %dma_wait3A_227 = arith.constant 0 : i32
    %dma_wait3A_228 = tpu.memref_slice %arg4[%select_n3A_190, %dma_wait3A_222, %select_n3A_206, %dma_wait3A_226, %dma_wait3A_227] : memref<200x8x32x8x128xf32, #tpu.memory_space<hbm>> -> memref<1x1x1x8x128xf32, #tpu.memory_space<hbm>>
    %dma_wait3A_229 = tpu.memref_squeeze %dma_wait3A_228 : memref<1x1x1x8x128xf32, #tpu.memory_space<hbm>> -> memref<8x128xf32, #tpu.memory_space<hbm>>
    %dma_wait3A_230 = arith.constant 0 : i32
    %dma_wait3A_231 = arith.constant 0 : i32
    %dma_wait3A_232 = tpu.memref_slice %arg4[%select_n3A_190, %dma_wait3A_222, %select_n3A_206, %dma_wait3A_230, %dma_wait3A_231] : memref<200x8x32x8x128xf32, #tpu.memory_space<hbm>> -> memref<1x1x1x8x128xf32, #tpu.memory_space<hbm>>
    %dma_wait3A_233 = tpu.memref_squeeze %dma_wait3A_232 : memref<1x1x1x8x128xf32, #tpu.memory_space<hbm>> -> memref<8x128xf32, #tpu.memory_space<hbm>>
    %dma_wait3A_234 = arith.constant 8 : i32
    %dma_wait3A_235 = arith.constant 0 : i32
    %dma_wait3A_236 = tpu.memref_slice %arg9[%dma_wait3A_234, %dma_wait3A_235] : memref<64x129xf32, #tpu.memory_space<vmem>> -> memref<8x128xf32, #tpu.memory_space<vmem>>
    tpu.wait_dma2 semaphore(%arg13 : memref<!tpu.dma_semaphore, #tpu.memory_space<semaphore_mem>>) src(%dma_wait3A_236 : memref<8x128xf32, #tpu.memory_space<vmem>>) dst(%dma_wait3A_233 : memref<8x128xf32, #tpu.memory_space<hbm>>)
    %dma_wait3A_237 = arith.constant 2 : i32
    %dma_wait3A_238 = arith.constant 16 : i32
    %dma_wait3A_239 = arith.constant 0 : i32
    %dma_wait3A_240 = tpu.memref_slice %arg9[%dma_wait3A_238, %dma_wait3A_239] : memref<64x129xf32, #tpu.memory_space<vmem>> -> memref<8x128xf32, #tpu.memory_space<vmem>>
    %dma_wait3A_241 = arith.constant 0 : i32
    %dma_wait3A_242 = arith.constant 0 : i32
    %dma_wait3A_243 = tpu.memref_slice %arg4[%select_n3A_190, %dma_wait3A_237, %select_n3A_206, %dma_wait3A_241, %dma_wait3A_242] : memref<200x8x32x8x128xf32, #tpu.memory_space<hbm>> -> memref<1x1x1x8x128xf32, #tpu.memory_space<hbm>>
    %dma_wait3A_244 = tpu.memref_squeeze %dma_wait3A_243 : memref<1x1x1x8x128xf32, #tpu.memory_space<hbm>> -> memref<8x128xf32, #tpu.memory_space<hbm>>
    %dma_wait3A_245 = arith.constant 0 : i32
    %dma_wait3A_246 = arith.constant 0 : i32
    %dma_wait3A_247 = tpu.memref_slice %arg4[%select_n3A_190, %dma_wait3A_237, %select_n3A_206, %dma_wait3A_245, %dma_wait3A_246] : memref<200x8x32x8x128xf32, #tpu.memory_space<hbm>> -> memref<1x1x1x8x128xf32, #tpu.memory_space<hbm>>
    %dma_wait3A_248 = tpu.memref_squeeze %dma_wait3A_247 : memref<1x1x1x8x128xf32, #tpu.memory_space<hbm>> -> memref<8x128xf32, #tpu.memory_space<hbm>>
    %dma_wait3A_249 = arith.constant 16 : i32
    %dma_wait3A_250 = arith.constant 0 : i32
    %dma_wait3A_251 = tpu.memref_slice %arg9[%dma_wait3A_249, %dma_wait3A_250] : memref<64x129xf32, #tpu.memory_space<vmem>> -> memref<8x128xf32, #tpu.memory_space<vmem>>
    tpu.wait_dma2 semaphore(%arg13 : memref<!tpu.dma_semaphore, #tpu.memory_space<semaphore_mem>>) src(%dma_wait3A_251 : memref<8x128xf32, #tpu.memory_space<vmem>>) dst(%dma_wait3A_248 : memref<8x128xf32, #tpu.memory_space<hbm>>)
    %dma_wait3A_252 = arith.constant 3 : i32
    %dma_wait3A_253 = arith.constant 24 : i32
    %dma_wait3A_254 = arith.constant 0 : i32
    %dma_wait3A_255 = tpu.memref_slice %arg9[%dma_wait3A_253, %dma_wait3A_254] : memref<64x129xf32, #tpu.memory_space<vmem>> -> memref<8x128xf32, #tpu.memory_space<vmem>>
    %dma_wait3A_256 = arith.constant 0 : i32
    %dma_wait3A_257 = arith.constant 0 : i32
    %dma_wait3A_258 = tpu.memref_slice %arg4[%select_n3A_190, %dma_wait3A_252, %select_n3A_206, %dma_wait3A_256, %dma_wait3A_257] : memref<200x8x32x8x128xf32, #tpu.memory_space<hbm>> -> memref<1x1x1x8x128xf32, #tpu.memory_space<hbm>>
    %dma_wait3A_259 = tpu.memref_squeeze %dma_wait3A_258 : memref<1x1x1x8x128xf32, #tpu.memory_space<hbm>> -> memref<8x128xf32, #tpu.memory_space<hbm>>
    %dma_wait3A_260 = arith.constant 0 : i32
    %dma_wait3A_261 = arith.constant 0 : i32
    %dma_wait3A_262 = tpu.memref_slice %arg4[%select_n3A_190, %dma_wait3A_252, %select_n3A_206, %dma_wait3A_260, %dma_wait3A_261] : memref<200x8x32x8x128xf32, #tpu.memory_space<hbm>> -> memref<1x1x1x8x128xf32, #tpu.memory_space<hbm>>
    %dma_wait3A_263 = tpu.memref_squeeze %dma_wait3A_262 : memref<1x1x1x8x128xf32, #tpu.memory_space<hbm>> -> memref<8x128xf32, #tpu.memory_space<hbm>>
    %dma_wait3A_264 = arith.constant 24 : i32
    %dma_wait3A_265 = arith.constant 0 : i32
    %dma_wait3A_266 = tpu.memref_slice %arg9[%dma_wait3A_264, %dma_wait3A_265] : memref<64x129xf32, #tpu.memory_space<vmem>> -> memref<8x128xf32, #tpu.memory_space<vmem>>
    tpu.wait_dma2 semaphore(%arg13 : memref<!tpu.dma_semaphore, #tpu.memory_space<semaphore_mem>>) src(%dma_wait3A_266 : memref<8x128xf32, #tpu.memory_space<vmem>>) dst(%dma_wait3A_263 : memref<8x128xf32, #tpu.memory_space<hbm>>)
    %dma_wait3A_267 = arith.constant 4 : i32
    %dma_wait3A_268 = arith.constant 32 : i32
    %dma_wait3A_269 = arith.constant 0 : i32
    %dma_wait3A_270 = tpu.memref_slice %arg9[%dma_wait3A_268, %dma_wait3A_269] : memref<64x129xf32, #tpu.memory_space<vmem>> -> memref<8x128xf32, #tpu.memory_space<vmem>>
    %dma_wait3A_271 = arith.constant 0 : i32
    %dma_wait3A_272 = arith.constant 0 : i32
    %dma_wait3A_273 = tpu.memref_slice %arg4[%select_n3A_190, %dma_wait3A_267, %select_n3A_206, %dma_wait3A_271, %dma_wait3A_272] : memref<200x8x32x8x128xf32, #tpu.memory_space<hbm>> -> memref<1x1x1x8x128xf32, #tpu.memory_space<hbm>>
    %dma_wait3A_274 = tpu.memref_squeeze %dma_wait3A_273 : memref<1x1x1x8x128xf32, #tpu.memory_space<hbm>> -> memref<8x128xf32, #tpu.memory_space<hbm>>
    %dma_wait3A_275 = arith.constant 0 : i32
    %dma_wait3A_276 = arith.constant 0 : i32
    %dma_wait3A_277 = tpu.memref_slice %arg4[%select_n3A_190, %dma_wait3A_267, %select_n3A_206, %dma_wait3A_275, %dma_wait3A_276] : memref<200x8x32x8x128xf32, #tpu.memory_space<hbm>> -> memref<1x1x1x8x128xf32, #tpu.memory_space<hbm>>
    %dma_wait3A_278 = tpu.memref_squeeze %dma_wait3A_277 : memref<1x1x1x8x128xf32, #tpu.memory_space<hbm>> -> memref<8x128xf32, #tpu.memory_space<hbm>>
    %dma_wait3A_279 = arith.constant 32 : i32
    %dma_wait3A_280 = arith.constant 0 : i32
    %dma_wait3A_281 = tpu.memref_slice %arg9[%dma_wait3A_279, %dma_wait3A_280] : memref<64x129xf32, #tpu.memory_space<vmem>> -> memref<8x128xf32, #tpu.memory_space<vmem>>
    tpu.wait_dma2 semaphore(%arg13 : memref<!tpu.dma_semaphore, #tpu.memory_space<semaphore_mem>>) src(%dma_wait3A_281 : memref<8x128xf32, #tpu.memory_space<vmem>>) dst(%dma_wait3A_278 : memref<8x128xf32, #tpu.memory_space<hbm>>)
    %dma_wait3A_282 = arith.constant 5 : i32
    %dma_wait3A_283 = arith.constant 40 : i32
    %dma_wait3A_284 = arith.constant 0 : i32
    %dma_wait3A_285 = tpu.memref_slice %arg9[%dma_wait3A_283, %dma_wait3A_284] : memref<64x129xf32, #tpu.memory_space<vmem>> -> memref<8x128xf32, #tpu.memory_space<vmem>>
    %dma_wait3A_286 = arith.constant 0 : i32
    %dma_wait3A_287 = arith.constant 0 : i32
    %dma_wait3A_288 = tpu.memref_slice %arg4[%select_n3A_190, %dma_wait3A_282, %select_n3A_206, %dma_wait3A_286, %dma_wait3A_287] : memref<200x8x32x8x128xf32, #tpu.memory_space<hbm>> -> memref<1x1x1x8x128xf32, #tpu.memory_space<hbm>>
    %dma_wait3A_289 = tpu.memref_squeeze %dma_wait3A_288 : memref<1x1x1x8x128xf32, #tpu.memory_space<hbm>> -> memref<8x128xf32, #tpu.memory_space<hbm>>
    %dma_wait3A_290 = arith.constant 0 : i32
    %dma_wait3A_291 = arith.constant 0 : i32
    %dma_wait3A_292 = tpu.memref_slice %arg4[%select_n3A_190, %dma_wait3A_282, %select_n3A_206, %dma_wait3A_290, %dma_wait3A_291] : memref<200x8x32x8x128xf32, #tpu.memory_space<hbm>> -> memref<1x1x1x8x128xf32, #tpu.memory_space<hbm>>
    %dma_wait3A_293 = tpu.memref_squeeze %dma_wait3A_292 : memref<1x1x1x8x128xf32, #tpu.memory_space<hbm>> -> memref<8x128xf32, #tpu.memory_space<hbm>>
    %dma_wait3A_294 = arith.constant 40 : i32
    %dma_wait3A_295 = arith.constant 0 : i32
    %dma_wait3A_296 = tpu.memref_slice %arg9[%dma_wait3A_294, %dma_wait3A_295] : memref<64x129xf32, #tpu.memory_space<vmem>> -> memref<8x128xf32, #tpu.memory_space<vmem>>
    tpu.wait_dma2 semaphore(%arg13 : memref<!tpu.dma_semaphore, #tpu.memory_space<semaphore_mem>>) src(%dma_wait3A_296 : memref<8x128xf32, #tpu.memory_space<vmem>>) dst(%dma_wait3A_293 : memref<8x128xf32, #tpu.memory_space<hbm>>)
    %dma_wait3A_297 = arith.constant 6 : i32
    %dma_wait3A_298 = arith.constant 48 : i32
    %dma_wait3A_299 = arith.constant 0 : i32
    %dma_wait3A_300 = tpu.memref_slice %arg9[%dma_wait3A_298, %dma_wait3A_299] : memref<64x129xf32, #tpu.memory_space<vmem>> -> memref<8x128xf32, #tpu.memory_space<vmem>>
    %dma_wait3A_301 = arith.constant 0 : i32
    %dma_wait3A_302 = arith.constant 0 : i32
    %dma_wait3A_303 = tpu.memref_slice %arg4[%select_n3A_190, %dma_wait3A_297, %select_n3A_206, %dma_wait3A_301, %dma_wait3A_302] : memref<200x8x32x8x128xf32, #tpu.memory_space<hbm>> -> memref<1x1x1x8x128xf32, #tpu.memory_space<hbm>>
    %dma_wait3A_304 = tpu.memref_squeeze %dma_wait3A_303 : memref<1x1x1x8x128xf32, #tpu.memory_space<hbm>> -> memref<8x128xf32, #tpu.memory_space<hbm>>
    %dma_wait3A_305 = arith.constant 0 : i32
    %dma_wait3A_306 = arith.constant 0 : i32
    %dma_wait3A_307 = tpu.memref_slice %arg4[%select_n3A_190, %dma_wait3A_297, %select_n3A_206, %dma_wait3A_305, %dma_wait3A_306] : memref<200x8x32x8x128xf32, #tpu.memory_space<hbm>> -> memref<1x1x1x8x128xf32, #tpu.memory_space<hbm>>
    %dma_wait3A_308 = tpu.memref_squeeze %dma_wait3A_307 : memref<1x1x1x8x128xf32, #tpu.memory_space<hbm>> -> memref<8x128xf32, #tpu.memory_space<hbm>>
    %dma_wait3A_309 = arith.constant 48 : i32
    %dma_wait3A_310 = arith.constant 0 : i32
    %dma_wait3A_311 = tpu.memref_slice %arg9[%dma_wait3A_309, %dma_wait3A_310] : memref<64x129xf32, #tpu.memory_space<vmem>> -> memref<8x128xf32, #tpu.memory_space<vmem>>
    tpu.wait_dma2 semaphore(%arg13 : memref<!tpu.dma_semaphore, #tpu.memory_space<semaphore_mem>>) src(%dma_wait3A_311 : memref<8x128xf32, #tpu.memory_space<vmem>>) dst(%dma_wait3A_308 : memref<8x128xf32, #tpu.memory_space<hbm>>)
    %dma_wait3A_312 = arith.constant 7 : i32
    %dma_wait3A_313 = arith.constant 56 : i32
    %dma_wait3A_314 = arith.constant 0 : i32
    %dma_wait3A_315 = tpu.memref_slice %arg9[%dma_wait3A_313, %dma_wait3A_314] : memref<64x129xf32, #tpu.memory_space<vmem>> -> memref<8x128xf32, #tpu.memory_space<vmem>>
    %dma_wait3A_316 = arith.constant 0 : i32
    %dma_wait3A_317 = arith.constant 0 : i32
    %dma_wait3A_318 = tpu.memref_slice %arg4[%select_n3A_190, %dma_wait3A_312, %select_n3A_206, %dma_wait3A_316, %dma_wait3A_317] : memref<200x8x32x8x128xf32, #tpu.memory_space<hbm>> -> memref<1x1x1x8x128xf32, #tpu.memory_space<hbm>>
    %dma_wait3A_319 = tpu.memref_squeeze %dma_wait3A_318 : memref<1x1x1x8x128xf32, #tpu.memory_space<hbm>> -> memref<8x128xf32, #tpu.memory_space<hbm>>
    %dma_wait3A_320 = arith.constant 0 : i32
    %dma_wait3A_321 = arith.constant 0 : i32
    %dma_wait3A_322 = tpu.memref_slice %arg4[%select_n3A_190, %dma_wait3A_312, %select_n3A_206, %dma_wait3A_320, %dma_wait3A_321] : memref<200x8x32x8x128xf32, #tpu.memory_space<hbm>> -> memref<1x1x1x8x128xf32, #tpu.memory_space<hbm>>
    %dma_wait3A_323 = tpu.memref_squeeze %dma_wait3A_322 : memref<1x1x1x8x128xf32, #tpu.memory_space<hbm>> -> memref<8x128xf32, #tpu.memory_space<hbm>>
    %dma_wait3A_324 = arith.constant 56 : i32
    %dma_wait3A_325 = arith.constant 0 : i32
    %dma_wait3A_326 = tpu.memref_slice %arg9[%dma_wait3A_324, %dma_wait3A_325] : memref<64x129xf32, #tpu.memory_space<vmem>> -> memref<8x128xf32, #tpu.memory_space<vmem>>
    tpu.wait_dma2 semaphore(%arg13 : memref<!tpu.dma_semaphore, #tpu.memory_space<semaphore_mem>>) src(%dma_wait3A_326 : memref<8x128xf32, #tpu.memory_space<vmem>>) dst(%dma_wait3A_323 : memref<8x128xf32, #tpu.memory_space<hbm>>)
    return
  }
}

module attributes {stable_mosaic.version = 14 : i64} {
  func.func @_scale_body(%arg0: i32, %arg1: memref<10000x64xf32, #tpu.memory_space<vmem>>, %arg2: memref<10000x64xf32, #tpu.memory_space<vmem>>) attributes {dimension_semantics = [#tpu.dimension_semantics<arbitrary>], iteration_bounds = array<i64: 10>, scalar_prefetch = 0 : i64, scratch_operands = 0 : i64, tpu.core_type = #tpu.core_type<tc>, window_params = [{transform_indices = @transform_0, window_bounds = array<i64: 10000, 64>}, {transform_indices = @transform_1, window_bounds = array<i64: 10000, 64>}]} {
    %get3A = arith.constant 0 : index
    %get3A_0 = arith.constant 0 : index
    %get3A_1 = vector.load %arg1[%get3A, %get3A_0] : memref<10000x64xf32, #tpu.memory_space<vmem>>, vector<10000x64xf32>
    %mul3A = arith.constant 8.000000e+00 : f32
    %mul3A_2 = vector.broadcast %mul3A : f32 to vector<10000x64xf32>
    %mul3A_3 = arith.mulf %get3A_1, %mul3A_2 : vector<10000x64xf32>
    %swap3A = arith.constant 0 : index
    %swap3A_4 = arith.constant 0 : index
    %swap3A_5 = vector.load %arg2[%swap3A, %swap3A_4] : memref<10000x64xf32, #tpu.memory_space<vmem>>, vector<10000x64xf32>
    tpu.vector_store %arg2[%swap3A, %swap3A_4], %mul3A_3 {strides = array<i32>} : memref<10000x64xf32, #tpu.memory_space<vmem>>, vector<10000x64xf32>,
    return
  }
  func.func @transform_0(%arg0: i32) -> (i32, i32) {
    %c0_i32 = arith.constant 0 : i32
    %c0_i32_0 = arith.constant 0 : i32
    return %arg0, %c0_i32 : i32, i32
  }
  func.func @transform_1(%arg0: i32) -> (i32, i32) {
    %c0_i32 = arith.constant 0 : i32
    %c0_i32_0 = arith.constant 0 : i32
    return %arg0, %c0_i32 : i32, i32
  }
}

</mosaic_0001>

<sc_bundles>
// kernel: kernel.4.cloned.1.call-start
scs
__scs_entry_jumppad:
0x0: {  	(pc) =	sbr.rel $0x88, $3  }
0x1: {  	(tag) =	ssettag $0x0;
	lr =	simm.s32 $0x1  }
0x2: {  	[smem:$0x3F9F] =	sst lr;
	_ =	strace $0xD0000000  }
0x3: {  	_ = 	snop  }
0x4: {  	_ = 	snop  }
0x5: {  	_ = 	snop  }
0x6: {  	_ = 	snop  }
0x7: {  	_ = 	snop  }
__scs_overlays_trampoline_lowered:
0x8: {  	[smem:$0x3FAE] =	sst s0  }
0x9: {  	[smem:$0x3FAF] =	sst s1  }
0xa: {  	[smem:$0x3FB0] =	sst s2  }
0xb: {  	[smem:$0x3FB1] =	sst s3  }
0xc: {  	[smem:$0x3FB2] =	sst s4  }
0xd: {  	[smem:$0x3FB3] =	sst s5  }
0xe: {  	[smem:$0x3FB4] =	sst s6  }
0xf: {  	[smem:$0x3FB5] =	sst s7  }
0x10: {  	[smem:$0x3FB6] =	sst s8  }
0x11: {  	[smem:$0x3FB7] =	sst s9;
	s0 =	simm.s32 @!p0 $0x0  }
0x12: {  	s1 =	sld [smem:$0x3F9D];
	s0 =	simm.s32 @p0 $0x1  }
0x13: {  	[smem:$0x3FB8] =	sst s0;
	s0 =	simm.s32 @!p1 $0x0  }
0x14: {  	s2 =	sld [smem:$0x3F9C];
	s0 =	simm.s32 @p1 $0x1  }
0x15: {  	[smem:$0x3FB9] =	sst s0;
	s0 =	simm.s32 @!p2 $0x0  }
0x16: {  	s3 =	sld [smem:$0x3FDB];
	s0 =	simm.s32 @p2 $0x1  }
0x17: {  	s4 =	simm.s32 $0x1BF5;
	[smem:$0x3FBB] =	sst s0  }
0x18: {  	s0 =	sld [smem:$0x3F9E];
	_ =	swait.ge [sflag:s4], $0x0  }
0x19: {  	s7 =	sld [smem:$0x3F9F]  }
0x1a: {  	s8 =	sadd.s32 $0xFFFFE003, lr  }
0x1b: {  	s9 =	sadd.s32 $0xFFFFFEF7, lr;
	s5 =	simm.s32 $0xFFFFFFFF;
	p2 =	slt.u32 s8, $0xFFFFF086  }
0x1c: {  	p1 =	slt.u32 s9, $0xF7A;
	s5 =	simm.s32 @!p2 $0x0  }
0x1d: {  	s5 =	simm.s32 @p1 $0x1;
	p0 =	seq.s32 s7, s2  }
0x1e: {  	s7 =	smul.u32 @!p0 $0xF7A, s2;
	p2 =	seq.s32 @!p0 s5, $0x0  }
0x1f: {  	s9 =	smul.u32 $0xF7A, s1;
	s8 =	simm.s32 @!p0 $0x1BF5;
	p2 =	por !p2, p0  }
0x20: {  	[sflag:s8] =	ssyncset.s32 @!p0 $0xFFFFF086;
	s6 =	sadd.s32 @!p0 s3, s7;
	s7 =	simm.s32 @!p0 $0x108  }
0x21: {  	s3 =	sadd.s32 s3, s9;
	s6 =	sadd.s32 @!p0 $0x88, s6;
	s7 =	simm.s32 @p2 $0x1082  }
0x22: {  	[simem:s7], [sflag:s8] =	dma.local @!p0 [hbm:s6], $0xF7A  }
0x23: {  	s9 =	sor.u32 $0xD0000000, s2;
	s6 =	simm.s32 $0x108;
	_ =	swait.ge @!p0 [sflag:s8], $0x0  }
0x24: {  	s3 =	sadd.s32 $0x88, s3;
	s6 =	simm.s32 @!p1 $0x1082;
	[sflag:s4] =	ssyncset.s32 $0xFFFFF086  }
0x25: {  	[simem:s6], [sflag:s4] =	dma.local [hbm:s3], $0xF7A  }
0x26: {  	[smem:$0x3F9F] =	sst s1;
	(tag) =	ssettag s2;
	_ =	strace s9  }
0x27: {  	s1 =	sld [smem:$0x3FAF]  }
0x28: {  	s2 =	sld [smem:$0x3FB0]  }
0x29: {  	s4 =	sld [smem:$0x3FB2]  }
0x2a: {  	p0 =	seq.s32 s5, $0x0;
	s5 =	sld [smem:$0x3FB3]  }
0x2b: {  	s6 =	sld [smem:$0x3FB4]  }
0x2c: {  	s7 =	sld [smem:$0x3FB5]  }
0x2d: {  	s3 =	simm.s32 $0x108;
	s8 =	sld [smem:$0x3FB6]  }
0x2e: {  	s3 =	simm.s32 @!p0 $0x1082;
	s9 =	sld [smem:$0x3FB7]  }
0x2f: {  	lr =	sadd.s32 s0, s3;
	s0 =	sld [smem:$0x3FAE]  }
0x30: {  	s3 =	sld [smem:$0x3FB1]  }
0x31: {  	[smem:$0x3FBA] =	sst s10  }
0x32: {  	s10 =	sld [smem:$0x3FB8];
	_ =	sdelay $0x3  }
0x33: {  	p0 =	seq.s32 s10, $0x1;
	s10 =	sld [smem:$0x3FBA];
	_ =	sdelay $0x3  }
0x34: {  	[smem:$0x3FBA] =	sst s10  }
0x35: {  	s10 =	sld [smem:$0x3FB9];
	_ =	sdelay $0x3  }
0x36: {  	p1 =	seq.s32 s10, $0x1;
	s10 =	sld [smem:$0x3FBA];
	_ =	sdelay $0x3  }
0x37: {  	[smem:$0x3FBA] =	sst s10  }
0x38: {  	s10 =	sld [smem:$0x3FBB]  }
0x39: {  	_ = 	snop;
	(pc) =	sbr.ind lr, $3  }
0x3a: {  	_ = 	snop  }
0x3b: {  	_ = 	snop  }
0x3c: {  	p2 =	seq.s32 s10, $0x1;
	s10 =	sld [smem:$0x3FBA]  }
0x3d: {  	_ =	shalt  }
0x3e: {  	_ =	shalt  }
0x3f: {  	_ =	shalt  }
0x40: {  	_ =	shalt  }
0x41: {  	_ =	shalt  }
0x42: {  	_ =	shalt  }
0x43: {  	_ =	shalt  }
0x44: {  	_ =	shalt  }
0x45: {  	_ =	shalt  }
0x46: {  	_ =	shalt  }
0x47: {  	_ =	shalt  }
0x48: {  	_ =	shalt  }
0x49: {  	_ =	shalt  }
0x4a: {  	_ =	shalt  }
0x4b: {  	_ =	shalt  }
0x4c: {  	_ =	shalt  }
0x4d: {  	_ =	shalt  }
0x4e: {  	_ =	shalt  }
0x4f: {  	_ =	shalt  }
0x50: {  	_ =	shalt  }
0x51: {  	_ =	shalt  }
0x52: {  	_ =	shalt  }
0x53: {  	_ =	shalt  }
0x54: {  	_ =	shalt  }
0x55: {  	_ =	shalt  }
0x56: {  	_ =	shalt  }
0x57: {  	_ =	shalt  }
0x58: {  	_ =	shalt  }
0x59: {  	_ =	shalt  }
0x5a: {  	_ =	shalt  }
0x5b: {  	_ =	shalt  }
0x5c: {  	_ =	shalt  }
0x5d: {  	_ =	shalt  }
0x5e: {  	_ =	shalt  }
0x5f: {  	_ =	shalt  }
0x60: {  	_ =	shalt  }
0x61: {  	_ =	shalt  }
0x62: {  	_ =	shalt  }
0x63: {  	_ =	shalt  }
0x64: {  	_ =	shalt  }
0x65: {  	_ =	shalt  }
0x66: {  	_ =	shalt  }
0x67: {  	_ =	shalt  }
0x68: {  	_ =	shalt  }
0x69: {  	_ =	shalt  }
0x6a: {  	_ =	shalt  }
0x6b: {  	_ =	shalt  }
0x6c: {  	_ =	shalt  }
0x6d: {  	_ =	shalt  }
0x6e: {  	_ =	shalt  }
0x6f: {  	_ =	shalt  }
0x70: {  	_ =	shalt  }
0x71: {  	_ =	shalt  }
0x72: {  	_ =	shalt  }
0x73: {  	_ =	shalt  }
0x74: {  	_ =	shalt  }
0x75: {  	_ =	shalt  }
0x76: {  	_ =	shalt  }
0x77: {  	_ =	shalt  }
0x78: {  	_ =	shalt  }
0x79: {  	_ =	shalt  }
0x7a: {  	_ =	shalt  }
0x7b: {  	_ =	shalt  }
0x7c: {  	_ =	shalt  }
0x7d: {  	_ =	shalt  }
0x7e: {  	_ =	shalt  }
0x7f: {  	_ =	shalt  }
0x80: {  	_ =	shalt  }
0x81: {  	_ =	shalt  }
0x82: {  	_ =	shalt  }
0x83: {  	_ =	shalt  }
0x84: {  	_ =	shalt  }
0x85: {  	_ =	shalt  }
0x86: {  	_ =	shalt  }
0x87: {  	_ =	shalt  }
.Lfunc_end0:
.L_simem_size_0:
called_computation_lowered:
.L_overlay_start_0:
0x88: {  	s2 =	sld [smem:$0x3FD9]  }
0x89: {  	s3 =	sld [smem:$0x3FFE];
	_ =	sdelay $0x1  }
0x8a: {  	s1 =	srdreg.scid  }
0x8b: {  	s0 =	sand.u32 $0x1, s1  }
0x8c: {  	s17 =	sshll.u32 s0, $0xA;
	s2 =	sadd.s32 s3, s2  }
0x8d: {  	s2 =	sadd.s32 s2, s17  }
0x8e: {  	[smem:$0x3FC6] =	sst s2  }
0x8f: {  	_ = 	snop  }
0x90: {  	s2 =	sld [smem:$0x3FD0];
	(tm) =	ssettm $0x1  }
0x91: {  	s18 =	sld [smem:$0x3FFB];
	_ =	sdelay $0x3  }
0x92: {  	_ =	strace s18  }
0x93: {  	s3 =	sld [smem:$0x3FFC];
	_ =	sdelay $0x3  }
0x94: {  	_ =	strace s3  }
0x95: {  	s3 =	sld [smem:$0x3FFD];
	_ =	sdelay $0x3  }
0x96: {  	_ =	strace s3  }
0x97: {  	_ =	strace $0x8FFFFFFF  }
0x98: {  	s19 =	sld [smem:$0x3FDB];
	_ =	sdelay $0x1  }
0x99: {  	s4 =	simm.s32 $_scs_section_size  }
0x9a: {  	s5 =	simm.s32 $_size__tile_overlayer_lowered;
	s6 =	simm.s32 $_tile_overlayer_lowered  }
0x9b: {  	s22 =	simm.s32 $0x1BFF;
	s21 =	sshll.u32 s6, $0x1;
	s3 =	sadd.s32 s4, s19  }
0x9c: {  	s7 =	simm.s32 $0x0;
	s20 =	sshll.u32 s5, $0x1;
	s5 =	sadd.s32 s21, s3  }
0x9d: {  	[timem:s7], [sflag:s22] =	dma.local [hbm:s5], s20  }
0x9e: {  	_ =	swait.ge [sflag:s22], s20  }
0x9f: {  	s4 =	ssub.s32 $0x0, s20;
	[sflag:s22] =	ssyncset.done $0x0  }
0xa0: {  	[sflag:s22] =	ssyncadd.s32 s4;
	_ =	sdelay $0x1  }
0xa1: {  	s23 =	simm.s32 $0x1B8B  }
0xa2: {  	_ =	swait.ge [sflag:s23], $0x1  }
0xa3: {  	[sflag:s23] =	ssyncset.done $0x0  }
0xa4: {  	s25 =	simm.s32 $0x1B8E;
	s24 =	sld [smem:$0x3FFE];
	[sflag:s23] =	ssyncadd.s32 $0xFFFFFFFF  }
0xa5: {  	s26 =	simm.s32 $execute0_lowered;
	[smem:$0x3FD2] =	sst s25  }
0xa6: {  	s5 =	sshll.u32 s26, $0x1;
	_ =	strace $0x80000046;
	[dreg:$0x1] =	wrdreg $0xFFFFFFFF  }
0xa7: {  	s28 =	simm.s32 $_size_execute0_lowered;
	s3 =	sadd.s32 s3, s5;
	[dreg:$0x0] =	wrdreg $0x0  }
0xa8: {  	s5 =	sshll.u32 s28, $0x1;
	[dreg:$0x2] =	wrdreg s3  }
0xa9: {  	[dreg:$0x3] =	wrdreg s5  }
0xaa: {  	[dreg:$0x4] =	wrdreg $0xC0  }
0xab: {  	_ =	task [dreg:s7], $0x5FFFF  }
0xac: {  	[dreg:$0x1] =	wrdreg $0xFFFFFFFF  }
0xad: {  	[dreg:$0x0] =	wrdreg $0x60  }
0xae: {  	[dreg:$0x2] =	wrdreg s24  }
0xaf: {  	[dreg:$0x3] =	wrdreg s2  }
0xb0: {  	[dreg:$0x4] =	wrdreg $0x9  }
0xb1: {  	_ =	task.clear_ibuf [dreg:s7], $0x5FFFF;
	_ =	strace $0x90000046  }
0xb2: {  	s29 =	simm.s32 $0x9;
	_ =	strace $0x80000048  }
0xb3: {  	_ =	swait.ge [sflag:s29], $0x1  }
0xb4: {  	[sflag:s29] =	ssyncadd.s32 $0xFFFFFFFF  }
0xb5: {  	_ =	strace $0x90000048  }
0xb6: {  	_ =	sfence  }
0xb7: {  	s30 =	sld [smem:$0x0];
	_ =	sdelay $0x2  }
0xb8: {  	s31 =	sshll.u32 s1, $0xD;
	s1 =	sshrl.u32 s1, $0x2  }
0xb9: {  	s3 =	sand.u32 $0x4000, s31;
	s1 =	sadd.s32 s1, s30  }
0xba: {  	s0 =	sor.u32 s3, s0;
	s1 =	sshll.u32 s1, $0x11  }
0xbb: {  	s0 =	sor.u32 s1, s0  }
0xbc: {  	s0 =	sadd.s32 $0x8F2B, s0  }
0xbd: {  	[sflag:s0] =	ssyncadd.remote.s32 $0x1  }
0xbe: {  	_ =	sfence.sel $0xFFFF  }
0xbf: {  	[dreg:$0x0] =	wrdreg $0xFFFFFFFF;
	(pc) =	sbr.abs _section_cstart, $3  }
0xc0: {  	[dreg:$0x1] =	wrdreg $0xFFFFFFFF  }
0xc1: {  	_ =	task.clear_ibuf [dreg:s7], $0x2FFFF;
	_ =	strace $0x9FFFFFFF  }
0xc2: {  	(tm) =	ssettm $0x7FFFFFFF  }
0xc3: {  	_ =	shalt  }
tec
execute0_lowered:
.L_overlay_start_1:
0x0: {  	(tag) =	ssettag $0x1  }
0x1: {  	s0 =	rddreg [dreg:$0x0];
	s1 =	srdreg.scid  }
0x2: {  	s3 =	stileid.u32;
	s2 =	rddreg [dreg:$0x1]  }
0x3: {  	s16 =	simm.s32 $0x80;
	s19 =	simm.s32 $0x1;
	s20 =	simm.s32 $0xA400  }
0x4: {  	s14 =	simm.s32 $0x4;
	s15 =	simm.s32 $0xC600;
	s17 =	simm.s32 $0xE448  }
0x5: {  	s18 =	simm.s32 $0xE4D0;
	s21 =	simm.s32 $0xE558;
	s22 =	simm.s32 $0xE5E0  }
0x6: {  	s23 =	simm.s32 $0xE668;
	s24 =	simm.s32 $0xE6F0;
	s25 =	simm.s32 $0xE778  }
0x7: {  	s1 =	sand.u32 $0x1, s1;
	s4 =	sshll.u32 s3, $0x1;
	s3 =	simm.s32 $0x0  }
0x8: {  	s8 =	sadd.s32 $0x2000, s2;
	s9 =	sadd.s32 $0x3000, s2;
	s10 =	sadd.s32 $0x4000, s2  }
0x9: {  	s11 =	sadd.s32 $0x5000, s2;
	s12 =	sadd.s32 $0x6000, s2;
	s13 =	sadd.s32 $0x7000, s2  }
0xa: {  	s5 =	sor.u32 s1, s4;
	[smem:$0x7FF] =	sst s3;
	s1 =	ssub.s32 $0x2, s1  }
0xb: {  	s4 =	smul.u32 $0xC80, s5;
	_ =	strace $0x80000047;
	s6 =	sshrl.u32 s1, $0x1  }
0xc: {  	v0 =	vlaneseq.u32;
	s5 =	smul.u32 $0xC8, s5;
	s30 =	ssub.s32 s1, s6;
	s6 =	simm.s32 $0x2  }
0xd: {  	v0 =	vmul.u32 $0x88, v0;
	s7 =	sadd.s32 s4, s0;
	s4 =	sadd.s32 $0x19FE00, s0;
	s0 =	smax.u32 s30, $0x1  }
0xe: {  	s1 =	simm.s32 $0x0;
	s31 =	sadd.s32 $0x400, s7;
	[dreg:$0x4] =	wrdreg s0  }
0xf: {  	v1 =	vadd.s32 $0x880, v0;
	v2 =	vadd.s32 $0x1100, v0;
	v3 =	vadd.s32 $0x1980, v0;
	s7 =	sadd.s32 $0x1000, s2;
	s0 =	simm.s32 $0xE3C0;
	[dreg:$0x3] =	wrdreg s31  }
.LBB2_1:
0x10: {  	[dreg:$0x5] =	wrdreg s1  }
0x11: {  	s26 =	rddreg [dreg:$0x3];
	s30 =	simm.s32 $0x5  }
0x12: {  	[tilespmem:s3], [sflag:$0x5] =	stream.linear.gather [hbm4b:s26+s3], $0x6400, $0x38;
	[tilespmem:$0xE800] =	vst v63  }
0x13: {  	_ =	swait.ge [sflag:s30], $0x6400  }
0x14: {  	[sflag:s30] =	ssyncset.done $0x0  }
0x15: {  	s31 =	simm.s32 $0x6400;
	s26 =	simm.s32 $0x0;
	[sflag:s30] =	ssyncadd.s32 $0xFFFF9C00  }
0x16: {  	[tilespmem:s31], [sflag:$0x1] =	stream.indirect.gather [hbm4b:s4+s16], $0x40, s3, s16, $0xb8;
	[tilespmem:$0xE800] =	vst v63  }
.LBB2_2:
0x17: {  	s28 =	sshllo.u32 s26, $0x1  }
0x18: {  	s29 =	sshll.u32 s28, $0x7  }
0x19: {  	s30 =	simm.s32 $0x8400;
	s29 =	sand.u32 $0x3FFFFF80, s29  }
0x1a: {  	[tilespmem:s30], [sflag:$0x2] =	stream.indirect.gather [hbm4b:s4+s16], $0x40, s29, s16, $0xb8;
	[tilespmem:$0xE800] =	vst v63  }
0x1b: {  	_ =	swait.ge [sflag:s19], $0x2000  }
0x1c: {  	p0 =	seq.s32 s26, $0x0;
	[sflag:s19] =	ssyncset.done $0x0  }
0x1d: {  	s29 =	simm.s32 @!p0 $0x3;
	[sflag:s19] =	ssyncadd.s32 $0xFFFFE000  }
0x1e: {  	_ =	swait.ge @!p0 [sflag:s29], $0x400  }
0x1f: {  	[sflag:s29] =	ssyncset.done @!p0 $0x0  }
0x20: {  	[sflag:s29] =	ssyncadd.s32 @!p0 $0xFFFFFC00  }
0x21: {  	_ =	swait.ge @!p0 [sflag:s29], $0x400  }
0x22: {  	[sflag:s29] =	ssyncset.done @!p0 $0x0  }
0x23: {  	[sflag:s29] =	ssyncadd.s32 @!p0 $0xFFFFFC00  }
0x24: {  	_ =	swait.ge @!p0 [sflag:s29], $0x400  }
0x25: {  	[sflag:s29] =	ssyncset.done @!p0 $0x0  }
0x26: {  	[sflag:s29] =	ssyncadd.s32 @!p0 $0xFFFFFC00  }
0x27: {  	_ =	swait.ge @!p0 [sflag:s29], $0x400  }
0x28: {  	[sflag:s29] =	ssyncset.done @!p0 $0x0  }
0x29: {  	[sflag:s29] =	ssyncadd.s32 @!p0 $0xFFFFFC00  }
0x2a: {  	_ =	swait.ge @!p0 [sflag:s29], $0x400  }
0x2b: {  	[sflag:s29] =	ssyncset.done @!p0 $0x0  }
0x2c: {  	[sflag:s29] =	ssyncadd.s32 @!p0 $0xFFFFFC00  }
0x2d: {  	_ =	swait.ge @!p0 [sflag:s29], $0x400  }
0x2e: {  	[sflag:s29] =	ssyncset.done @!p0 $0x0  }
0x2f: {  	[sflag:s29] =	ssyncadd.s32 @!p0 $0xFFFFFC00  }
0x30: {  	_ =	swait.ge @!p0 [sflag:s29], $0x400  }
0x31: {  	[sflag:s29] =	ssyncset.done @!p0 $0x0  }
0x32: {  	[sflag:s29] =	ssyncadd.s32 @!p0 $0xFFFFFC00  }
0x33: {  	v4 =	vimm.s32 $0x0;
	_ =	swait.ge @!p0 [sflag:s29], $0x400  }
0x34: {  	v5 =	vand.u32 $0xFFFFFFF8, v4;
	[sflag:s29] =	ssyncset.done @!p0 $0x0  }
0x35: {  	v6 =	vand.u32 $0x4, v4;
	v7 =	vadd.s32 v0, v5;
	[sflag:s29] =	ssyncadd.s32 @!p0 $0xFFFFFC00;
	s29 =	simm.s32 $0x6480  }
0x36: {  	v9 =	vor.u32 v6, v7;
	v8 =	vld [tilespmem:s29+$0xFFFFFF80];
	_ =	sdelay $0x4  }
0x37: {  	[tilespmem:v9+s20+$0x0] =	vst.idx.msk $0xffff, v8;
	v8 =	vadd.s32 v1, v5  }
0x38: {  	v9 =	vld [tilespmem:s29+$0xFFFFFF90];
	v10 =	vor.u32 v6, v8;
	_ =	sdelay $0x4  }
0x39: {  	v56 =	vadd.s32 v2, v5;
	[tilespmem:v10+s20+$0x0] =	vst.idx.msk $0xffff, v9  }
0x3a: {  	v11 =	vor.u32 v6, v56;
	v10 =	vld [tilespmem:s29+$0xFFFFFFA0];
	_ =	sdelay $0x4  }
0x3b: {  	v57 =	vadd.s32 v3, v5;
	[tilespmem:v11+s20+$0x0] =	vst.idx.msk $0xffff, v10  }
0x3c: {  	v58 =	vor.u32 v6, v57;
	v5 =	vld [tilespmem:s29+$0xFFFFFFB0];
	_ =	sdelay $0x4  }
0x3d: {  	[tilespmem:v58+s20+$0x0] =	vst.idx.msk $0xffff, v5;
	v5 =	vor.u32 $0x1, v6  }
0x3e: {  	v11 =	vld [tilespmem:s29+$0xFFFFFFC0];
	v12 =	vor.u32 v5, v7;
	_ =	sdelay $0x4  }
0x3f: {  	[tilespmem:v12+s20+$0x0] =	vst.idx.msk $0xffff, v11  }
0x40: {  	v59 =	vor.u32 v5, v8;
	v11 =	vld [tilespmem:s29+$0xFFFFFFD0];
	_ =	sdelay $0x4  }
0x41: {  	[tilespmem:v59+s20+$0x0] =	vst.idx.msk $0xffff, v11  }
0x42: {  	v60 =	vor.u32 v5, v56;
	v11 =	vld [tilespmem:s29+$0xFFFFFFE0];
	_ =	sdelay $0x4  }
0x43: {  	[tilespmem:v60+s20+$0x0] =	vst.idx.msk $0xffff, v11  }
0x44: {  	v5 =	vor.u32 v5, v57;
	v11 =	vld [tilespmem:s29+$0xFFFFFFF0];
	_ =	sdelay $0x4  }
0x45: {  	[tilespmem:v5+s20+$0x0] =	vst.idx.msk $0xffff, v11;
	v5 =	vor.u32 $0x2, v6  }
0x46: {  	v11 =	vld [tilespmem:s29+$0x0];
	v61 =	vor.u32 v5, v7;
	_ =	sdelay $0x4  }
0x47: {  	[tilespmem:v61+s20+$0x0] =	vst.idx.msk $0xffff, v11  }
0x48: {  	v62 =	vor.u32 v5, v8;
	v11 =	vld [tilespmem:s29+$0x10];
	_ =	sdelay $0x4  }
0x49: {  	[tilespmem:v62+s20+$0x0] =	vst.idx.msk $0xffff, v11  }
0x4a: {  	v63 =	vor.u32 v5, v56;
	v11 =	vld [tilespmem:s29+$0x20];
	_ =	sdelay $0x4  }
0x4b: {  	[tilespmem:v63+s20+$0x0] =	vst.idx.msk $0xffff, v11  }
0x4c: {  	v5 =	vor.u32 v5, v57;
	v11 =	vld [tilespmem:s29+$0x30];
	_ =	sdelay $0x4  }
0x4d: {  	v6 =	vor.u32 $0x3, v6;
	[tilespmem:v5+s20+$0x0] =	vst.idx.msk $0xffff, v11  }
0x4e: {  	v7 =	vor.u32 v6, v7;
	v5 =	vld [tilespmem:s29+$0x40];
	_ =	sdelay $0x4  }
0x4f: {  	[tilespmem:v7+s20+$0x0] =	vst.idx.msk $0xffff, v5  }
0x50: {  	v7 =	vor.u32 v6, v8;
	v5 =	vld [tilespmem:s29+$0x50];
	_ =	sdelay $0x4  }
0x51: {  	[tilespmem:v7+s20+$0x0] =	vst.idx.msk $0xffff, v5  }
0x52: {  	v7 =	vor.u32 v6, v56;
	v5 =	vld [tilespmem:s29+$0x60];
	_ =	sdelay $0x4  }
0x53: {  	[tilespmem:v7+s20+$0x0] =	vst.idx.msk $0xffff, v5  }
0x54: {  	v6 =	vor.u32 v6, v57;
	v5 =	vld [tilespmem:s29+$0x70];
	_ =	sdelay $0x2  }
0x55: {  	s31 =	simm.s32 $0x0;
	v4 =	vadd.s32 $0x4, v4;
	s30 =	sshll.u32 s26, $0x1  }
.LBB2_3:
0x56: {  	v7 =	vand.u32 $0xFFFFFFF8, v4;
	s31 =	sadd.s32 $0x4, s31  }
0x57: {  	v8 =	vand.u32 $0x4, v4;
	s29 =	sadd.s32 $0x100, s29;
	v9 =	vadd.s32 v0, v7;
	p1 =	slt.u32 s31, $0x7C;
	[tilespmem:v6+s20+$0x0] =	vst.idx.msk $0xffff, v5  }
0x58: {  	v5 =	vld [tilespmem:s29+$0xFFFFFF80];
	v6 =	vor.u32 v8, v9;
	_ =	sdelay $0x4  }
0x59: {  	[tilespmem:v6+s20+$0x0] =	vst.idx.msk $0xffff, v5;
	v5 =	vadd.s32 v1, v7  }
0x5a: {  	v6 =	vld [tilespmem:s29+$0xFFFFFF90];
	v10 =	vor.u32 v8, v5;
	_ =	sdelay $0x4  }
0x5b: {  	[tilespmem:v10+s20+$0x0] =	vst.idx.msk $0xffff, v6;
	v6 =	vadd.s32 v2, v7  }
0x5c: {  	v10 =	vld [tilespmem:s29+$0xFFFFFFA0];
	v11 =	vor.u32 v8, v6;
	_ =	sdelay $0x4  }
0x5d: {  	v7 =	vadd.s32 v3, v7;
	[tilespmem:v11+s20+$0x0] =	vst.idx.msk $0xffff, v10  }
0x5e: {  	v11 =	vor.u32 v8, v7;
	v10 =	vld [tilespmem:s29+$0xFFFFFFB0];
	_ =	sdelay $0x4  }
0x5f: {  	[tilespmem:v11+s20+$0x0] =	vst.idx.msk $0xffff, v10;
	v10 =	vor.u32 $0x1, v8  }
0x60: {  	v11 =	vld [tilespmem:s29+$0xFFFFFFC0];
	v12 =	vor.u32 v10, v9;
	_ =	sdelay $0x4  }
0x61: {  	[tilespmem:v12+s20+$0x0] =	vst.idx.msk $0xffff, v11  }
0x62: {  	v12 =	vor.u32 v10, v5;
	v11 =	vld [tilespmem:s29+$0xFFFFFFD0];
	_ =	sdelay $0x4  }
0x63: {  	[tilespmem:v12+s20+$0x0] =	vst.idx.msk $0xffff, v11  }
0x64: {  	v12 =	vor.u32 v10, v6;
	v11 =	vld [tilespmem:s29+$0xFFFFFFE0];
	_ =	sdelay $0x4  }
0x65: {  	[tilespmem:v12+s20+$0x0] =	vst.idx.msk $0xffff, v11  }
0x66: {  	v10 =	vor.u32 v10, v7;
	v11 =	vld [tilespmem:s29+$0xFFFFFFF0];
	_ =	sdelay $0x4  }
0x67: {  	[tilespmem:v10+s20+$0x0] =	vst.idx.msk $0xffff, v11;
	v10 =	vor.u32 $0x2, v8  }
0x68: {  	v11 =	vld [tilespmem:s29+$0x0];
	v12 =	vor.u32 v10, v9;
	_ =	sdelay $0x4  }
0x69: {  	[tilespmem:v12+s20+$0x0] =	vst.idx.msk $0xffff, v11  }
0x6a: {  	v12 =	vor.u32 v10, v5;
	v11 =	vld [tilespmem:s29+$0x10];
	_ =	sdelay $0x4  }
0x6b: {  	[tilespmem:v12+s20+$0x0] =	vst.idx.msk $0xffff, v11  }
0x6c: {  	v12 =	vor.u32 v10, v6;
	v11 =	vld [tilespmem:s29+$0x20];
	_ =	sdelay $0x4  }
0x6d: {  	[tilespmem:v12+s20+$0x0] =	vst.idx.msk $0xffff, v11  }
0x6e: {  	v10 =	vor.u32 v10, v7;
	v11 =	vld [tilespmem:s29+$0x30];
	_ =	sdelay $0x4  }
0x6f: {  	v8 =	vor.u32 $0x3, v8;
	[tilespmem:v10+s20+$0x0] =	vst.idx.msk $0xffff, v11  }
0x70: {  	v9 =	vor.u32 v8, v9;
	v10 =	vld [tilespmem:s29+$0x40];
	_ =	sdelay $0x4  }
0x71: {  	[tilespmem:v9+s20+$0x0] =	vst.idx.msk $0xffff, v10  }
0x72: {  	v5 =	vor.u32 v8, v5;
	v9 =	vld [tilespmem:s29+$0x50];
	_ =	sdelay $0x4  }
0x73: {  	[tilespmem:v5+s20+$0x0] =	vst.idx.msk $0xffff, v9  }
0x74: {  	v6 =	vor.u32 v8, v6;
	v5 =	vld [tilespmem:s29+$0x60];
	_ =	sdelay $0x4  }
.Ltmp0:
0x75: {  	[tilespmem:v6+s20+$0x0] =	vst.idx.msk $0xffff, v5;
	(pc) =	sbr.rel @p1 .LBB2_3-.Ltmp0, $2  }
0x76: {  	v6 =	vor.u32 v8, v7;
	v5 =	vld [tilespmem:s29+$0x70];
	_ =	sdelay $0x2  }
0x77: {  	v4 =	vadd.s32 $0x4, v4  }
0x78: {  	s29 =	sadd.s32 s5, s30  }
0x79: {  	s30 =	sshll.u32 s29, $0xA;
	s29 =	sshll.u32 s29, $0x7  }
0x7a: {  	s30 =	sand.u32 $0xFFF8000, s30;
	s29 =	sand.u32 $0xF00, s29  }
0x7b: {  	s29 =	sor.u32 s29, s30  }
0x7c: {  	[tilespmem:v6+s20+$0x0] =	vst.idx.msk $0xffff, v5;
	s30 =	sadd.s32 s2, s29  }
0x7d: {  	[hbm4b:s30+s3] =	stream.linear.scatter [tilespmem:s20], [sflag:$0x3], $0x80, $0x38;
	[tilespmem:$0xE800] =	vst v63  }
0x7e: {  	s1 =	simm.s32 $0xA488;
	s31 =	sadd.s32 $0x10, s30  }
0x7f: {  	[hbm4b:s31+s3] =	stream.linear.scatter [tilespmem:s1], [sflag:$0x3], $0x80, $0x38;
	[tilespmem:$0xE800] =	vst v63  }
0x80: {  	s31 =	sadd.s32 $0x20, s30;
	s1 =	simm.s32 $0xA510  }
0x81: {  	[hbm4b:s31+s3] =	stream.linear.scatter [tilespmem:s1], [sflag:$0x3], $0x80, $0x38;
	[tilespmem:$0xE800] =	vst v63  }
0x82: {  	s31 =	sadd.s32 $0x30, s30;
	s1 =	simm.s32 $0xA598  }
0x83: {  	[hbm4b:s31+s3] =	stream.linear.scatter [tilespmem:s1], [sflag:$0x3], $0x80, $0x38;
	[tilespmem:$0xE800] =	vst v63  }
0x84: {  	s31 =	sadd.s32 $0x40, s30;
	s1 =	simm.s32 $0xA620  }
0x85: {  	[hbm4b:s31+s3] =	stream.linear.scatter [tilespmem:s1], [sflag:$0x3], $0x80, $0x38;
	[tilespmem:$0xE800] =	vst v63  }
0x86: {  	s31 =	sadd.s32 $0x50, s30;
	s1 =	simm.s32 $0xA6A8  }
0x87: {  	[hbm4b:s31+s3] =	stream.linear.scatter [tilespmem:s1], [sflag:$0x3], $0x80, $0x38;
	[tilespmem:$0xE800] =	vst v63  }
0x88: {  	s31 =	sadd.s32 $0x60, s30;
	s1 =	simm.s32 $0xA730  }
0x89: {  	[hbm4b:s31+s3] =	stream.linear.scatter [tilespmem:s1], [sflag:$0x3], $0x80, $0x38;
	[tilespmem:$0xE800] =	vst v63  }
0x8a: {  	s30 =	sadd.s32 $0x70, s30;
	s31 =	simm.s32 $0xA7B8  }
0x8b: {  	[hbm4b:s30+s3] =	stream.linear.scatter [tilespmem:s31], [sflag:$0x3], $0x80, $0x38;
	[tilespmem:$0xE800] =	vst v63  }
0x8c: {  	s30 =	sadd.s32 s29, s7;
	s31 =	simm.s32 $0xA840  }
0x8d: {  	[hbm4b:s30+s3] =	stream.linear.scatter [tilespmem:s31], [sflag:$0x3], $0x80, $0x38;
	[tilespmem:$0xE800] =	vst v63  }
0x8e: {  	s1 =	simm.s32 $0xA8C8;
	s31 =	sadd.s32 $0x10, s30  }
0x8f: {  	[hbm4b:s31+s3] =	stream.linear.scatter [tilespmem:s1], [sflag:$0x3], $0x80, $0x38;
	[tilespmem:$0xE800] =	vst v63  }
0x90: {  	s31 =	sadd.s32 $0x20, s30;
	s1 =	simm.s32 $0xA950  }
0x91: {  	[hbm4b:s31+s3] =	stream.linear.scatter [tilespmem:s1], [sflag:$0x3], $0x80, $0x38;
	[tilespmem:$0xE800] =	vst v63  }
0x92: {  	s31 =	sadd.s32 $0x30, s30;
	s1 =	simm.s32 $0xA9D8  }
0x93: {  	[hbm4b:s31+s3] =	stream.linear.scatter [tilespmem:s1], [sflag:$0x3], $0x80, $0x38;
	[tilespmem:$0xE800] =	vst v63  }
0x94: {  	s31 =	sadd.s32 $0x40, s30;
	s1 =	simm.s32 $0xAA60  }
0x95: {  	[hbm4b:s31+s3] =	stream.linear.scatter [tilespmem:s1], [sflag:$0x3], $0x80, $0x38;
	[tilespmem:$0xE800] =	vst v63  }
0x96: {  	s31 =	sadd.s32 $0x50, s30;
	s1 =	simm.s32 $0xAAE8  }
0x97: {  	[hbm4b:s31+s3] =	stream.linear.scatter [tilespmem:s1], [sflag:$0x3], $0x80, $0x38;
	[tilespmem:$0xE800] =	vst v63  }
0x98: {  	s31 =	sadd.s32 $0x60, s30;
	s1 =	simm.s32 $0xAB70  }
0x99: {  	[hbm4b:s31+s3] =	stream.linear.scatter [tilespmem:s1], [sflag:$0x3], $0x80, $0x38;
	[tilespmem:$0xE800] =	vst v63  }
0x9a: {  	s30 =	sadd.s32 $0x70, s30;
	s31 =	simm.s32 $0xABF8  }
0x9b: {  	[hbm4b:s30+s3] =	stream.linear.scatter [tilespmem:s31], [sflag:$0x3], $0x80, $0x38;
	[tilespmem:$0xE800] =	vst v63  }
0x9c: {  	s30 =	sadd.s32 s29, s8;
	s31 =	simm.s32 $0xAC80  }
0x9d: {  	[hbm4b:s30+s3] =	stream.linear.scatter [tilespmem:s31], [sflag:$0x3], $0x80, $0x38;
	[tilespmem:$0xE800] =	vst v63  }
0x9e: {  	s1 =	simm.s32 $0xAD08;
	s31 =	sadd.s32 $0x10, s30  }
0x9f: {  	[hbm4b:s31+s3] =	stream.linear.scatter [tilespmem:s1], [sflag:$0x3], $0x80, $0x38;
	[tilespmem:$0xE800] =	vst v63  }
0xa0: {  	s31 =	sadd.s32 $0x20, s30;
	s1 =	simm.s32 $0xAD90  }
0xa1: {  	[hbm4b:s31+s3] =	stream.linear.scatter [tilespmem:s1], [sflag:$0x3], $0x80, $0x38;
	[tilespmem:$0xE800] =	vst v63  }
0xa2: {  	s31 =	sadd.s32 $0x30, s30;
	s1 =	simm.s32 $0xAE18  }
0xa3: {  	[hbm4b:s31+s3] =	stream.linear.scatter [tilespmem:s1], [sflag:$0x3], $0x80, $0x38;
	[tilespmem:$0xE800] =	vst v63  }
0xa4: {  	s31 =	sadd.s32 $0x40, s30;
	s1 =	simm.s32 $0xAEA0  }
0xa5: {  	[hbm4b:s31+s3] =	stream.linear.scatter [tilespmem:s1], [sflag:$0x3], $0x80, $0x38;
	[tilespmem:$0xE800] =	vst v63  }
0xa6: {  	s31 =	sadd.s32 $0x50, s30;
	s1 =	simm.s32 $0xAF28  }
0xa7: {  	[hbm4b:s31+s3] =	stream.linear.scatter [tilespmem:s1], [sflag:$0x3], $0x80, $0x38;
	[tilespmem:$0xE800] =	vst v63  }
0xa8: {  	s31 =	sadd.s32 $0x60, s30;
	s1 =	simm.s32 $0xAFB0  }
0xa9: {  	[hbm4b:s31+s3] =	stream.linear.scatter [tilespmem:s1], [sflag:$0x3], $0x80, $0x38;
	[tilespmem:$0xE800] =	vst v63  }
0xaa: {  	s30 =	sadd.s32 $0x70, s30;
	s31 =	simm.s32 $0xB038  }
0xab: {  	[hbm4b:s30+s3] =	stream.linear.scatter [tilespmem:s31], [sflag:$0x3], $0x80, $0x38;
	[tilespmem:$0xE800] =	vst v63  }
0xac: {  	s30 =	sadd.s32 s29, s9;
	s31 =	simm.s32 $0xB0C0  }
0xad: {  	[hbm4b:s30+s3] =	stream.linear.scatter [tilespmem:s31], [sflag:$0x3], $0x80, $0x38;
	[tilespmem:$0xE800] =	vst v63  }
0xae: {  	s1 =	simm.s32 $0xB148;
	s31 =	sadd.s32 $0x10, s30  }
0xaf: {  	[hbm4b:s31+s3] =	stream.linear.scatter [tilespmem:s1], [sflag:$0x3], $0x80, $0x38;
	[tilespmem:$0xE800] =	vst v63  }
0xb0: {  	s31 =	sadd.s32 $0x20, s30;
	s1 =	simm.s32 $0xB1D0  }
0xb1: {  	[hbm4b:s31+s3] =	stream.linear.scatter [tilespmem:s1], [sflag:$0x3], $0x80, $0x38;
	[tilespmem:$0xE800] =	vst v63  }
0xb2: {  	s31 =	sadd.s32 $0x30, s30;
	s1 =	simm.s32 $0xB258  }
0xb3: {  	[hbm4b:s31+s3] =	stream.linear.scatter [tilespmem:s1], [sflag:$0x3], $0x80, $0x38;
	[tilespmem:$0xE800] =	vst v63  }
0xb4: {  	s31 =	sadd.s32 $0x40, s30;
	s1 =	simm.s32 $0xB2E0  }
0xb5: {  	[hbm4b:s31+s3] =	stream.linear.scatter [tilespmem:s1], [sflag:$0x3], $0x80, $0x38;
	[tilespmem:$0xE800] =	vst v63  }
0xb6: {  	s31 =	sadd.s32 $0x50, s30;
	s1 =	simm.s32 $0xB368  }
0xb7: {  	[hbm4b:s31+s3] =	stream.linear.scatter [tilespmem:s1], [sflag:$0x3], $0x80, $0x38;
	[tilespmem:$0xE800] =	vst v63  }
0xb8: {  	s31 =	sadd.s32 $0x60, s30;
	s1 =	simm.s32 $0xB3F0  }
0xb9: {  	[hbm4b:s31+s3] =	stream.linear.scatter [tilespmem:s1], [sflag:$0x3], $0x80, $0x38;
	[tilespmem:$0xE800] =	vst v63  }
0xba: {  	s30 =	sadd.s32 $0x70, s30;
	s31 =	simm.s32 $0xB478  }
0xbb: {  	[hbm4b:s30+s3] =	stream.linear.scatter [tilespmem:s31], [sflag:$0x3], $0x80, $0x38;
	[tilespmem:$0xE800] =	vst v63  }
0xbc: {  	s30 =	sadd.s32 s29, s10;
	s31 =	simm.s32 $0xB500  }
0xbd: {  	[hbm4b:s30+s3] =	stream.linear.scatter [tilespmem:s31], [sflag:$0x3], $0x80, $0x38;
	[tilespmem:$0xE800] =	vst v63  }
0xbe: {  	s1 =	simm.s32 $0xB588;
	s31 =	sadd.s32 $0x10, s30  }
0xbf: {  	[hbm4b:s31+s3] =	stream.linear.scatter [tilespmem:s1], [sflag:$0x3], $0x80, $0x38;
	[tilespmem:$0xE800] =	vst v63  }
0xc0: {  	s31 =	sadd.s32 $0x20, s30;
	s1 =	simm.s32 $0xB610  }
0xc1: {  	[hbm4b:s31+s3] =	stream.linear.scatter [tilespmem:s1], [sflag:$0x3], $0x80, $0x38;
	[tilespmem:$0xE800] =	vst v63  }
0xc2: {  	s31 =	sadd.s32 $0x30, s30;
	s1 =	simm.s32 $0xB698  }
0xc3: {  	[hbm4b:s31+s3] =	stream.linear.scatter [tilespmem:s1], [sflag:$0x3], $0x80, $0x38;
	[tilespmem:$0xE800] =	vst v63  }
0xc4: {  	s31 =	sadd.s32 $0x40, s30;
	s1 =	simm.s32 $0xB720  }
0xc5: {  	[hbm4b:s31+s3] =	stream.linear.scatter [tilespmem:s1], [sflag:$0x3], $0x80, $0x38;
	[tilespmem:$0xE800] =	vst v63  }
0xc6: {  	s31 =	sadd.s32 $0x50, s30;
	s1 =	simm.s32 $0xB7A8  }
0xc7: {  	[hbm4b:s31+s3] =	stream.linear.scatter [tilespmem:s1], [sflag:$0x3], $0x80, $0x38;
	[tilespmem:$0xE800] =	vst v63  }
0xc8: {  	s31 =	sadd.s32 $0x60, s30;
	s1 =	simm.s32 $0xB830  }
0xc9: {  	[hbm4b:s31+s3] =	stream.linear.scatter [tilespmem:s1], [sflag:$0x3], $0x80, $0x38;
	[tilespmem:$0xE800] =	vst v63  }
0xca: {  	s30 =	sadd.s32 $0x70, s30;
	s31 =	simm.s32 $0xB8B8  }
0xcb: {  	[hbm4b:s30+s3] =	stream.linear.scatter [tilespmem:s31], [sflag:$0x3], $0x80, $0x38;
	[tilespmem:$0xE800] =	vst v63  }
0xcc: {  	s30 =	sadd.s32 s29, s11;
	s31 =	simm.s32 $0xB940  }
0xcd: {  	[hbm4b:s30+s3] =	stream.linear.scatter [tilespmem:s31], [sflag:$0x3], $0x80, $0x38;
	[tilespmem:$0xE800] =	vst v63  }
0xce: {  	s1 =	simm.s32 $0xB9C8;
	s31 =	sadd.s32 $0x10, s30  }
0xcf: {  	[hbm4b:s31+s3] =	stream.linear.scatter [tilespmem:s1], [sflag:$0x3], $0x80, $0x38;
	[tilespmem:$0xE800] =	vst v63  }
0xd0: {  	s31 =	sadd.s32 $0x20, s30;
	s1 =	simm.s32 $0xBA50  }
0xd1: {  	[hbm4b:s31+s3] =	stream.linear.scatter [tilespmem:s1], [sflag:$0x3], $0x80, $0x38;
	[tilespmem:$0xE800] =	vst v63  }
0xd2: {  	s31 =	sadd.s32 $0x30, s30;
	s1 =	simm.s32 $0xBAD8  }
0xd3: {  	[hbm4b:s31+s3] =	stream.linear.scatter [tilespmem:s1], [sflag:$0x3], $0x80, $0x38;
	[tilespmem:$0xE800] =	vst v63  }
0xd4: {  	s31 =	sadd.s32 $0x40, s30;
	s1 =	simm.s32 $0xBB60  }
0xd5: {  	[hbm4b:s31+s3] =	stream.linear.scatter [tilespmem:s1], [sflag:$0x3], $0x80, $0x38;
	[tilespmem:$0xE800] =	vst v63  }
0xd6: {  	s31 =	sadd.s32 $0x50, s30;
	s1 =	simm.s32 $0xBBE8  }
0xd7: {  	[hbm4b:s31+s3] =	stream.linear.scatter [tilespmem:s1], [sflag:$0x3], $0x80, $0x38;
	[tilespmem:$0xE800] =	vst v63  }
0xd8: {  	s31 =	sadd.s32 $0x60, s30;
	s1 =	simm.s32 $0xBC70  }
0xd9: {  	[hbm4b:s31+s3] =	stream.linear.scatter [tilespmem:s1], [sflag:$0x3], $0x80, $0x38;
	[tilespmem:$0xE800] =	vst v63  }
0xda: {  	s30 =	sadd.s32 $0x70, s30;
	s31 =	simm.s32 $0xBCF8  }
0xdb: {  	[hbm4b:s30+s3] =	stream.linear.scatter [tilespmem:s31], [sflag:$0x3], $0x80, $0x38;
	[tilespmem:$0xE800] =	vst v63  }
0xdc: {  	s30 =	sadd.s32 s29, s12;
	s31 =	simm.s32 $0xBD80  }
0xdd: {  	[hbm4b:s30+s3] =	stream.linear.scatter [tilespmem:s31], [sflag:$0x3], $0x80, $0x38;
	[tilespmem:$0xE800] =	vst v63  }
0xde: {  	s1 =	simm.s32 $0xBE08;
	s31 =	sadd.s32 $0x10, s30  }
0xdf: {  	[hbm4b:s31+s3] =	stream.linear.scatter [tilespmem:s1], [sflag:$0x3], $0x80, $0x38;
	[tilespmem:$0xE800] =	vst v63  }
0xe0: {  	s31 =	sadd.s32 $0x20, s30;
	s1 =	simm.s32 $0xBE90  }
0xe1: {  	[hbm4b:s31+s3] =	stream.linear.scatter [tilespmem:s1], [sflag:$0x3], $0x80, $0x38;
	[tilespmem:$0xE800] =	vst v63  }
0xe2: {  	s31 =	sadd.s32 $0x30, s30;
	s1 =	simm.s32 $0xBF18  }
0xe3: {  	[hbm4b:s31+s3] =	stream.linear.scatter [tilespmem:s1], [sflag:$0x3], $0x80, $0x38;
	[tilespmem:$0xE800] =	vst v63  }
0xe4: {  	s31 =	sadd.s32 $0x40, s30;
	s1 =	simm.s32 $0xBFA0  }
0xe5: {  	[hbm4b:s31+s3] =	stream.linear.scatter [tilespmem:s1], [sflag:$0x3], $0x80, $0x38;
	[tilespmem:$0xE800] =	vst v63  }
0xe6: {  	s31 =	sadd.s32 $0x50, s30;
	s1 =	simm.s32 $0xC028  }
0xe7: {  	[hbm4b:s31+s3] =	stream.linear.scatter [tilespmem:s1], [sflag:$0x3], $0x80, $0x38;
	[tilespmem:$0xE800] =	vst v63  }
0xe8: {  	s31 =	sadd.s32 $0x60, s30;
	s1 =	simm.s32 $0xC0B0  }
0xe9: {  	[hbm4b:s31+s3] =	stream.linear.scatter [tilespmem:s1], [sflag:$0x3], $0x80, $0x38;
	[tilespmem:$0xE800] =	vst v63  }
0xea: {  	s30 =	sadd.s32 $0x70, s30;
	s31 =	simm.s32 $0xC138  }
0xeb: {  	[hbm4b:s30+s3] =	stream.linear.scatter [tilespmem:s31], [sflag:$0x3], $0x80, $0x38;
	[tilespmem:$0xE800] =	vst v63  }
0xec: {  	s29 =	sadd.s32 s29, s13;
	s31 =	simm.s32 $0xC1C0  }
0xed: {  	[hbm4b:s29+s3] =	stream.linear.scatter [tilespmem:s31], [sflag:$0x3], $0x80, $0x38;
	[tilespmem:$0xE800] =	vst v63  }
0xee: {  	s1 =	sadd.s32 $0x10, s29;
	s31 =	simm.s32 $0xC248  }
0xef: {  	[hbm4b:s1+s3] =	stream.linear.scatter [tilespmem:s31], [sflag:$0x3], $0x80, $0x38;
	[tilespmem:$0xE800] =	vst v63  }
0xf0: {  	s1 =	sadd.s32 $0x20, s29;
	s31 =	simm.s32 $0xC2D0  }
0xf1: {  	[hbm4b:s1+s3] =	stream.linear.scatter [tilespmem:s31], [sflag:$0x3], $0x80, $0x38;
	[tilespmem:$0xE800] =	vst v63  }
0xf2: {  	s1 =	sadd.s32 $0x30, s29;
	s31 =	simm.s32 $0xC358  }
0xf3: {  	[hbm4b:s1+s3] =	stream.linear.scatter [tilespmem:s31], [sflag:$0x3], $0x80, $0x38;
	[tilespmem:$0xE800] =	vst v63  }
0xf4: {  	s1 =	sadd.s32 $0x40, s29;
	s31 =	simm.s32 $0xC3E0  }
0xf5: {  	[hbm4b:s1+s3] =	stream.linear.scatter [tilespmem:s31], [sflag:$0x3], $0x80, $0x38;
	[tilespmem:$0xE800] =	vst v63  }
0xf6: {  	p1 =	sne.s32 s26, $0x63;
	s1 =	sadd.s32 $0x50, s29;
	s31 =	simm.s32 $0xC468  }
0xf7: {  	[hbm4b:s1+s3] =	stream.linear.scatter [tilespmem:s31], [sflag:$0x3], $0x80, $0x38;
	[tilespmem:$0xE800] =	vst v63  }
.Ltmp1:
0xf8: {  	_ = 	snop;
	(pc) =	sbr.rel @p1 .LBB2_6-.Ltmp1, $4  }
0xf9: {  	s1 =	sadd.s32 $0x60, s29;
	s31 =	simm.s32 $0xC4F0  }
0xfa: {  	[hbm4b:s1+s3] =	stream.linear.scatter [tilespmem:s31], [sflag:$0x3], $0x80, $0x38;
	[tilespmem:$0xE800] =	vst v63  }
0xfb: {  	s29 =	sadd.s32 $0x70, s29;
	s31 =	simm.s32 $0xC578  }
0xfc: {  	[hbm4b:s29+s3] =	stream.linear.scatter [tilespmem:s31], [sflag:$0x3], $0x80, $0x38;
	[tilespmem:$0xE800] =	vst v63  }
.Ltmp2:
0xfd: {  	(pc) =	sbr.rel .LBB2_7-.Ltmp2, $4  }
0xfe: {  	_ = 	snop  }
0xff: {  	_ =	swait.ge [sflag:s6], $0x2000  }
0x100: {  	[sflag:s6] =	ssyncset.done $0x0  }
0x101: {  	[sflag:s6] =	ssyncadd.s32 $0xFFFFE000  }
.LBB2_6:
0x102: {  	s29 =	sshll.u32 s26, $0x8  }
0x103: {  	s29 =	sand.u32 $0x3FFFFF00, s29  }
.Ltmp3:
0x104: {  	s30 =	simm.s32 $0x6400;
	s29 =	sadd.s32 $0x100, s29;
	(pc) =	sbr.rel @p0 .LBB2_8-.Ltmp3, $4  }
0x105: {  	[tilespmem:s30], [sflag:$0x1] =	stream.indirect.gather [hbm4b:s4+s16], $0x40, s29, s16, $0xb8;
	[tilespmem:$0xE800] =	vst v63  }
0x106: {  	_ =	swait.ge [sflag:s6], $0x2000  }
0x107: {  	[sflag:s6] =	ssyncset.done $0x0  }
0x108: {  	[sflag:s6] =	ssyncadd.s32 $0xFFFFE000  }
.LBB2_7:
0x109: {  	_ =	swait.ge [sflag:s14], $0x400  }
0x10a: {  	[sflag:s14] =	ssyncset.done $0x0  }
0x10b: {  	[sflag:s14] =	ssyncadd.s32 $0xFFFFFC00  }
0x10c: {  	_ =	swait.ge [sflag:s14], $0x400  }
0x10d: {  	[sflag:s14] =	ssyncset.done $0x0  }
0x10e: {  	[sflag:s14] =	ssyncadd.s32 $0xFFFFFC00  }
0x10f: {  	_ =	swait.ge [sflag:s14], $0x400  }
0x110: {  	[sflag:s14] =	ssyncset.done $0x0  }
0x111: {  	[sflag:s14] =	ssyncadd.s32 $0xFFFFFC00  }
0x112: {  	_ =	swait.ge [sflag:s14], $0x400  }
0x113: {  	[sflag:s14] =	ssyncset.done $0x0  }
0x114: {  	[sflag:s14] =	ssyncadd.s32 $0xFFFFFC00  }
0x115: {  	_ =	swait.ge [sflag:s14], $0x400  }
0x116: {  	[sflag:s14] =	ssyncset.done $0x0  }
0x117: {  	[sflag:s14] =	ssyncadd.s32 $0xFFFFFC00  }
0x118: {  	_ =	swait.ge [sflag:s14], $0x400  }
0x119: {  	[sflag:s14] =	ssyncset.done $0x0  }
0x11a: {  	[sflag:s14] =	ssyncadd.s32 $0xFFFFFC00  }
0x11b: {  	_ =	swait.ge [sflag:s14], $0x400  }
0x11c: {  	[sflag:s14] =	ssyncset.done $0x0  }
0x11d: {  	[sflag:s14] =	ssyncadd.s32 $0xFFFFFC00  }
0x11e: {  	_ =	swait.ge [sflag:s14], $0x400  }
0x11f: {  	[sflag:s14] =	ssyncset.done $0x0  }
0x120: {  	[sflag:s14] =	ssyncadd.s32 $0xFFFFFC00  }
.LBB2_8:
0x121: {  	v4 =	vimm.s32 $0x0  }
0x122: {  	v5 =	vand.u32 $0xFFFFFFF8, v4  }
0x123: {  	s29 =	simm.s32 $0x8480;
	v6 =	vand.u32 $0x4, v4;
	v7 =	vadd.s32 v0, v5  }
0x124: {  	v8 =	vld [tilespmem:s29+$0xFFFFFF80];
	v9 =	vor.u32 v6, v7;
	_ =	sdelay $0x4  }
0x125: {  	[tilespmem:v9+s15+$0x0] =	vst.idx.msk $0xffff, v8;
	v8 =	vadd.s32 v1, v5  }
0x126: {  	v9 =	vld [tilespmem:s29+$0xFFFFFF90];
	v10 =	vor.u32 v6, v8;
	_ =	sdelay $0x4  }
0x127: {  	v56 =	vadd.s32 v2, v5;
	[tilespmem:v10+s15+$0x0] =	vst.idx.msk $0xffff, v9  }
0x128: {  	v11 =	vor.u32 v6, v56;
	v10 =	vld [tilespmem:s29+$0xFFFFFFA0];
	_ =	sdelay $0x4  }
0x129: {  	v57 =	vadd.s32 v3, v5;
	[tilespmem:v11+s15+$0x0] =	vst.idx.msk $0xffff, v10  }
0x12a: {  	v58 =	vor.u32 v6, v57;
	v5 =	vld [tilespmem:s29+$0xFFFFFFB0];
	_ =	sdelay $0x4  }
0x12b: {  	[tilespmem:v58+s15+$0x0] =	vst.idx.msk $0xffff, v5;
	v5 =	vor.u32 $0x1, v6  }
0x12c: {  	v11 =	vld [tilespmem:s29+$0xFFFFFFC0];
	v12 =	vor.u32 v5, v7;
	_ =	sdelay $0x4  }
0x12d: {  	[tilespmem:v12+s15+$0x0] =	vst.idx.msk $0xffff, v11  }
0x12e: {  	v59 =	vor.u32 v5, v8;
	v11 =	vld [tilespmem:s29+$0xFFFFFFD0];
	_ =	sdelay $0x4  }
0x12f: {  	[tilespmem:v59+s15+$0x0] =	vst.idx.msk $0xffff, v11  }
0x130: {  	v60 =	vor.u32 v5, v56;
	v11 =	vld [tilespmem:s29+$0xFFFFFFE0];
	_ =	sdelay $0x4  }
0x131: {  	[tilespmem:v60+s15+$0x0] =	vst.idx.msk $0xffff, v11  }
0x132: {  	v5 =	vor.u32 v5, v57;
	v11 =	vld [tilespmem:s29+$0xFFFFFFF0];
	_ =	sdelay $0x4  }
0x133: {  	[tilespmem:v5+s15+$0x0] =	vst.idx.msk $0xffff, v11;
	v5 =	vor.u32 $0x2, v6  }
0x134: {  	v11 =	vld [tilespmem:s29+$0x0];
	v61 =	vor.u32 v5, v7;
	_ =	sdelay $0x4  }
0x135: {  	[tilespmem:v61+s15+$0x0] =	vst.idx.msk $0xffff, v11  }
0x136: {  	v62 =	vor.u32 v5, v8;
	v11 =	vld [tilespmem:s29+$0x10];
	_ =	sdelay $0x4  }
0x137: {  	[tilespmem:v62+s15+$0x0] =	vst.idx.msk $0xffff, v11  }
0x138: {  	v63 =	vor.u32 v5, v56;
	v11 =	vld [tilespmem:s29+$0x20];
	_ =	sdelay $0x4  }
0x139: {  	[tilespmem:v63+s15+$0x0] =	vst.idx.msk $0xffff, v11  }
0x13a: {  	v5 =	vor.u32 v5, v57;
	v11 =	vld [tilespmem:s29+$0x30];
	_ =	sdelay $0x4  }
0x13b: {  	v6 =	vor.u32 $0x3, v6;
	[tilespmem:v5+s15+$0x0] =	vst.idx.msk $0xffff, v11  }
0x13c: {  	v7 =	vor.u32 v6, v7;
	v5 =	vld [tilespmem:s29+$0x40];
	_ =	sdelay $0x4  }
0x13d: {  	[tilespmem:v7+s15+$0x0] =	vst.idx.msk $0xffff, v5  }
0x13e: {  	v7 =	vor.u32 v6, v8;
	v5 =	vld [tilespmem:s29+$0x50];
	_ =	sdelay $0x4  }
0x13f: {  	[tilespmem:v7+s15+$0x0] =	vst.idx.msk $0xffff, v5  }
0x140: {  	v7 =	vor.u32 v6, v56;
	v5 =	vld [tilespmem:s29+$0x60];
	_ =	sdelay $0x4  }
0x141: {  	[tilespmem:v7+s15+$0x0] =	vst.idx.msk $0xffff, v5  }
0x142: {  	v6 =	vor.u32 v6, v57;
	v5 =	vld [tilespmem:s29+$0x70];
	_ =	sdelay $0x2  }
0x143: {  	s30 =	simm.s32 $0x0;
	v4 =	vadd.s32 $0x4, v4  }
.LBB2_9:
0x144: {  	v7 =	vand.u32 $0xFFFFFFF8, v4;
	s30 =	sadd.s32 $0x4, s30  }
0x145: {  	v8 =	vand.u32 $0x4, v4;
	s29 =	sadd.s32 $0x100, s29;
	v9 =	vadd.s32 v0, v7;
	p0 =	slt.u32 s30, $0x7C;
	[tilespmem:v6+s15+$0x0] =	vst.idx.msk $0xffff, v5  }
0x146: {  	v5 =	vld [tilespmem:s29+$0xFFFFFF80];
	v6 =	vor.u32 v8, v9;
	_ =	sdelay $0x4  }
0x147: {  	[tilespmem:v6+s15+$0x0] =	vst.idx.msk $0xffff, v5;
	v5 =	vadd.s32 v1, v7  }
0x148: {  	v6 =	vld [tilespmem:s29+$0xFFFFFF90];
	v10 =	vor.u32 v8, v5;
	_ =	sdelay $0x4  }
0x149: {  	[tilespmem:v10+s15+$0x0] =	vst.idx.msk $0xffff, v6;
	v6 =	vadd.s32 v2, v7  }
0x14a: {  	v10 =	vld [tilespmem:s29+$0xFFFFFFA0];
	v11 =	vor.u32 v8, v6;
	_ =	sdelay $0x4  }
0x14b: {  	v7 =	vadd.s32 v3, v7;
	[tilespmem:v11+s15+$0x0] =	vst.idx.msk $0xffff, v10  }
0x14c: {  	v11 =	vor.u32 v8, v7;
	v10 =	vld [tilespmem:s29+$0xFFFFFFB0];
	_ =	sdelay $0x4  }
0x14d: {  	[tilespmem:v11+s15+$0x0] =	vst.idx.msk $0xffff, v10;
	v10 =	vor.u32 $0x1, v8  }
0x14e: {  	v11 =	vld [tilespmem:s29+$0xFFFFFFC0];
	v12 =	vor.u32 v10, v9;
	_ =	sdelay $0x4  }
0x14f: {  	[tilespmem:v12+s15+$0x0] =	vst.idx.msk $0xffff, v11  }
0x150: {  	v12 =	vor.u32 v10, v5;
	v11 =	vld [tilespmem:s29+$0xFFFFFFD0];
	_ =	sdelay $0x4  }
0x151: {  	[tilespmem:v12+s15+$0x0] =	vst.idx.msk $0xffff, v11  }
0x152: {  	v12 =	vor.u32 v10, v6;
	v11 =	vld [tilespmem:s29+$0xFFFFFFE0];
	_ =	sdelay $0x4  }
0x153: {  	[tilespmem:v12+s15+$0x0] =	vst.idx.msk $0xffff, v11  }
0x154: {  	v10 =	vor.u32 v10, v7;
	v11 =	vld [tilespmem:s29+$0xFFFFFFF0];
	_ =	sdelay $0x4  }
0x155: {  	[tilespmem:v10+s15+$0x0] =	vst.idx.msk $0xffff, v11;
	v10 =	vor.u32 $0x2, v8  }
0x156: {  	v11 =	vld [tilespmem:s29+$0x0];
	v12 =	vor.u32 v10, v9;
	_ =	sdelay $0x4  }
0x157: {  	[tilespmem:v12+s15+$0x0] =	vst.idx.msk $0xffff, v11  }
0x158: {  	v12 =	vor.u32 v10, v5;
	v11 =	vld [tilespmem:s29+$0x10];
	_ =	sdelay $0x4  }
0x159: {  	[tilespmem:v12+s15+$0x0] =	vst.idx.msk $0xffff, v11  }
0x15a: {  	v12 =	vor.u32 v10, v6;
	v11 =	vld [tilespmem:s29+$0x20];
	_ =	sdelay $0x4  }
0x15b: {  	[tilespmem:v12+s15+$0x0] =	vst.idx.msk $0xffff, v11  }
0x15c: {  	v10 =	vor.u32 v10, v7;
	v11 =	vld [tilespmem:s29+$0x30];
	_ =	sdelay $0x4  }
0x15d: {  	v8 =	vor.u32 $0x3, v8;
	[tilespmem:v10+s15+$0x0] =	vst.idx.msk $0xffff, v11  }
0x15e: {  	v9 =	vor.u32 v8, v9;
	v10 =	vld [tilespmem:s29+$0x40];
	_ =	sdelay $0x4  }
0x15f: {  	[tilespmem:v9+s15+$0x0] =	vst.idx.msk $0xffff, v10  }
0x160: {  	v5 =	vor.u32 v8, v5;
	v9 =	vld [tilespmem:s29+$0x50];
	_ =	sdelay $0x4  }
0x161: {  	[tilespmem:v5+s15+$0x0] =	vst.idx.msk $0xffff, v9  }
0x162: {  	v6 =	vor.u32 v8, v6;
	v5 =	vld [tilespmem:s29+$0x60];
	_ =	sdelay $0x4  }
.Ltmp4:
0x163: {  	[tilespmem:v6+s15+$0x0] =	vst.idx.msk $0xffff, v5;
	(pc) =	sbr.rel @p0 .LBB2_9-.Ltmp4, $2  }
0x164: {  	v6 =	vor.u32 v8, v7;
	v5 =	vld [tilespmem:s29+$0x70];
	_ =	sdelay $0x2  }
0x165: {  	v4 =	vadd.s32 $0x4, v4  }
0x166: {  	s28 =	sadd.s32 s5, s28  }
0x167: {  	s29 =	sshll.u32 s28, $0xA;
	s28 =	sshll.u32 s28, $0x7  }
0x168: {  	s29 =	sand.u32 $0xFFF8000, s29;
	s28 =	sand.u32 $0xF80, s28  }
0x169: {  	s28 =	sor.u32 s28, s29  }
0x16a: {  	[tilespmem:v6+s15+$0x0] =	vst.idx.msk $0xffff, v5;
	s29 =	sadd.s32 s2, s28  }
0x16b: {  	[hbm4b:s29+s3] =	stream.linear.scatter [tilespmem:s15], [sflag:$0x4], $0x80, $0x38;
	[tilespmem:$0xE800] =	vst v63  }
0x16c: {  	s1 =	simm.s32 $0xC688;
	s30 =	sadd.s32 $0x10, s29  }
0x16d: {  	[hbm4b:s30+s3] =	stream.linear.scatter [tilespmem:s1], [sflag:$0x4], $0x80, $0x38;
	[tilespmem:$0xE800] =	vst v63  }
0x16e: {  	s31 =	simm.s32 $0xC710;
	s1 =	sadd.s32 $0x20, s29  }
0x16f: {  	[hbm4b:s1+s3] =	stream.linear.scatter [tilespmem:s31], [sflag:$0x4], $0x80, $0x38;
	[tilespmem:$0xE800] =	vst v63  }
0x170: {  	s1 =	sadd.s32 $0x30, s29;
	s31 =	simm.s32 $0xC798  }
0x171: {  	[hbm4b:s1+s3] =	stream.linear.scatter [tilespmem:s31], [sflag:$0x4], $0x80, $0x38;
	[tilespmem:$0xE800] =	vst v63  }
0x172: {  	s1 =	sadd.s32 $0x40, s29;
	s31 =	simm.s32 $0xC820  }
0x173: {  	[hbm4b:s1+s3] =	stream.linear.scatter [tilespmem:s31], [sflag:$0x4], $0x80, $0x38;
	[tilespmem:$0xE800] =	vst v63  }
0x174: {  	s1 =	sadd.s32 $0x50, s29;
	s31 =	simm.s32 $0xC8A8  }
0x175: {  	[hbm4b:s1+s3] =	stream.linear.scatter [tilespmem:s31], [sflag:$0x4], $0x80, $0x38;
	[tilespmem:$0xE800] =	vst v63  }
0x176: {  	s1 =	sadd.s32 $0x60, s29;
	s31 =	simm.s32 $0xC930  }
0x177: {  	[hbm4b:s1+s3] =	stream.linear.scatter [tilespmem:s31], [sflag:$0x4], $0x80, $0x38;
	[tilespmem:$0xE800] =	vst v63  }
0x178: {  	s30 =	simm.s32 $0xC9B8;
	s29 =	sadd.s32 $0x70, s29  }
0x179: {  	[hbm4b:s29+s3] =	stream.linear.scatter [tilespmem:s30], [sflag:$0x4], $0x80, $0x38;
	[tilespmem:$0xE800] =	vst v63  }
0x17a: {  	s31 =	simm.s32 $0xCA40;
	s29 =	sadd.s32 s28, s7  }
0x17b: {  	[hbm4b:s29+s3] =	stream.linear.scatter [tilespmem:s31], [sflag:$0x4], $0x80, $0x38;
	[tilespmem:$0xE800] =	vst v63  }
0x17c: {  	s1 =	sadd.s32 $0x10, s29;
	s31 =	simm.s32 $0xCAC8  }
0x17d: {  	[hbm4b:s1+s3] =	stream.linear.scatter [tilespmem:s31], [sflag:$0x4], $0x80, $0x38;
	[tilespmem:$0xE800] =	vst v63  }
0x17e: {  	s1 =	sadd.s32 $0x20, s29;
	s31 =	simm.s32 $0xCB50  }
0x17f: {  	[hbm4b:s1+s3] =	stream.linear.scatter [tilespmem:s31], [sflag:$0x4], $0x80, $0x38;
	[tilespmem:$0xE800] =	vst v63  }
0x180: {  	s1 =	sadd.s32 $0x30, s29;
	s31 =	simm.s32 $0xCBD8  }
0x181: {  	[hbm4b:s1+s3] =	stream.linear.scatter [tilespmem:s31], [sflag:$0x4], $0x80, $0x38;
	[tilespmem:$0xE800] =	vst v63  }
0x182: {  	s1 =	sadd.s32 $0x40, s29;
	s31 =	simm.s32 $0xCC60  }
0x183: {  	[hbm4b:s1+s3] =	stream.linear.scatter [tilespmem:s31], [sflag:$0x4], $0x80, $0x38;
	[tilespmem:$0xE800] =	vst v63  }
0x184: {  	s1 =	sadd.s32 $0x50, s29;
	s31 =	simm.s32 $0xCCE8  }
0x185: {  	[hbm4b:s1+s3] =	stream.linear.scatter [tilespmem:s31], [sflag:$0x4], $0x80, $0x38;
	[tilespmem:$0xE800] =	vst v63  }
0x186: {  	s1 =	sadd.s32 $0x60, s29;
	s31 =	simm.s32 $0xCD70  }
0x187: {  	[hbm4b:s1+s3] =	stream.linear.scatter [tilespmem:s31], [sflag:$0x4], $0x80, $0x38;
	[tilespmem:$0xE800] =	vst v63  }
0x188: {  	s30 =	simm.s32 $0xCDF8;
	s29 =	sadd.s32 $0x70, s29  }
0x189: {  	[hbm4b:s29+s3] =	stream.linear.scatter [tilespmem:s30], [sflag:$0x4], $0x80, $0x38;
	[tilespmem:$0xE800] =	vst v63  }
0x18a: {  	s31 =	simm.s32 $0xCE80;
	s29 =	sadd.s32 s28, s8  }
0x18b: {  	[hbm4b:s29+s3] =	stream.linear.scatter [tilespmem:s31], [sflag:$0x4], $0x80, $0x38;
	[tilespmem:$0xE800] =	vst v63  }
0x18c: {  	s1 =	sadd.s32 $0x10, s29;
	s31 =	simm.s32 $0xCF08  }
0x18d: {  	[hbm4b:s1+s3] =	stream.linear.scatter [tilespmem:s31], [sflag:$0x4], $0x80, $0x38;
	[tilespmem:$0xE800] =	vst v63  }
0x18e: {  	s1 =	sadd.s32 $0x20, s29;
	s31 =	simm.s32 $0xCF90  }
0x18f: {  	[hbm4b:s1+s3] =	stream.linear.scatter [tilespmem:s31], [sflag:$0x4], $0x80, $0x38;
	[tilespmem:$0xE800] =	vst v63  }
0x190: {  	s1 =	sadd.s32 $0x30, s29;
	s31 =	simm.s32 $0xD018  }
0x191: {  	[hbm4b:s1+s3] =	stream.linear.scatter [tilespmem:s31], [sflag:$0x4], $0x80, $0x38;
	[tilespmem:$0xE800] =	vst v63  }
0x192: {  	s1 =	sadd.s32 $0x40, s29;
	s31 =	simm.s32 $0xD0A0  }
0x193: {  	[hbm4b:s1+s3] =	stream.linear.scatter [tilespmem:s31], [sflag:$0x4], $0x80, $0x38;
	[tilespmem:$0xE800] =	vst v63  }
0x194: {  	s1 =	sadd.s32 $0x50, s29;
	s31 =	simm.s32 $0xD128  }
0x195: {  	[hbm4b:s1+s3] =	stream.linear.scatter [tilespmem:s31], [sflag:$0x4], $0x80, $0x38;
	[tilespmem:$0xE800] =	vst v63  }
0x196: {  	s1 =	sadd.s32 $0x60, s29;
	s31 =	simm.s32 $0xD1B0  }
0x197: {  	[hbm4b:s1+s3] =	stream.linear.scatter [tilespmem:s31], [sflag:$0x4], $0x80, $0x38;
	[tilespmem:$0xE800] =	vst v63  }
0x198: {  	s30 =	simm.s32 $0xD238;
	s29 =	sadd.s32 $0x70, s29  }
0x199: {  	[hbm4b:s29+s3] =	stream.linear.scatter [tilespmem:s30], [sflag:$0x4], $0x80, $0x38;
	[tilespmem:$0xE800] =	vst v63  }
0x19a: {  	s31 =	simm.s32 $0xD2C0;
	s29 =	sadd.s32 s28, s9  }
0x19b: {  	[hbm4b:s29+s3] =	stream.linear.scatter [tilespmem:s31], [sflag:$0x4], $0x80, $0x38;
	[tilespmem:$0xE800] =	vst v63  }
0x19c: {  	s1 =	sadd.s32 $0x10, s29;
	s31 =	simm.s32 $0xD348  }
0x19d: {  	[hbm4b:s1+s3] =	stream.linear.scatter [tilespmem:s31], [sflag:$0x4], $0x80, $0x38;
	[tilespmem:$0xE800] =	vst v63  }
0x19e: {  	s1 =	sadd.s32 $0x20, s29;
	s31 =	simm.s32 $0xD3D0  }
0x19f: {  	[hbm4b:s1+s3] =	stream.linear.scatter [tilespmem:s31], [sflag:$0x4], $0x80, $0x38;
	[tilespmem:$0xE800] =	vst v63  }
0x1a0: {  	s1 =	sadd.s32 $0x30, s29;
	s31 =	simm.s32 $0xD458  }
0x1a1: {  	[hbm4b:s1+s3] =	stream.linear.scatter [tilespmem:s31], [sflag:$0x4], $0x80, $0x38;
	[tilespmem:$0xE800] =	vst v63  }
0x1a2: {  	s1 =	sadd.s32 $0x40, s29;
	s31 =	simm.s32 $0xD4E0  }
0x1a3: {  	[hbm4b:s1+s3] =	stream.linear.scatter [tilespmem:s31], [sflag:$0x4], $0x80, $0x38;
	[tilespmem:$0xE800] =	vst v63  }
0x1a4: {  	s1 =	sadd.s32 $0x50, s29;
	s31 =	simm.s32 $0xD568  }
0x1a5: {  	[hbm4b:s1+s3] =	stream.linear.scatter [tilespmem:s31], [sflag:$0x4], $0x80, $0x38;
	[tilespmem:$0xE800] =	vst v63  }
0x1a6: {  	s1 =	sadd.s32 $0x60, s29;
	s31 =	simm.s32 $0xD5F0  }
0x1a7: {  	[hbm4b:s1+s3] =	stream.linear.scatter [tilespmem:s31], [sflag:$0x4], $0x80, $0x38;
	[tilespmem:$0xE800] =	vst v63  }
0x1a8: {  	s30 =	simm.s32 $0xD678;
	s29 =	sadd.s32 $0x70, s29  }
0x1a9: {  	[hbm4b:s29+s3] =	stream.linear.scatter [tilespmem:s30], [sflag:$0x4], $0x80, $0x38;
	[tilespmem:$0xE800] =	vst v63  }
0x1aa: {  	s31 =	simm.s32 $0xD700;
	s29 =	sadd.s32 s28, s10  }
0x1ab: {  	[hbm4b:s29+s3] =	stream.linear.scatter [tilespmem:s31], [sflag:$0x4], $0x80, $0x38;
	[tilespmem:$0xE800] =	vst v63  }
0x1ac: {  	s1 =	sadd.s32 $0x10, s29;
	s31 =	simm.s32 $0xD788  }
0x1ad: {  	[hbm4b:s1+s3] =	stream.linear.scatter [tilespmem:s31], [sflag:$0x4], $0x80, $0x38;
	[tilespmem:$0xE800] =	vst v63  }
0x1ae: {  	s1 =	sadd.s32 $0x20, s29;
	s31 =	simm.s32 $0xD810  }
0x1af: {  	[hbm4b:s1+s3] =	stream.linear.scatter [tilespmem:s31], [sflag:$0x4], $0x80, $0x38;
	[tilespmem:$0xE800] =	vst v63  }
0x1b0: {  	s1 =	sadd.s32 $0x30, s29;
	s31 =	simm.s32 $0xD898  }
0x1b1: {  	[hbm4b:s1+s3] =	stream.linear.scatter [tilespmem:s31], [sflag:$0x4], $0x80, $0x38;
	[tilespmem:$0xE800] =	vst v63  }
0x1b2: {  	s1 =	sadd.s32 $0x40, s29;
	s31 =	simm.s32 $0xD920  }
0x1b3: {  	[hbm4b:s1+s3] =	stream.linear.scatter [tilespmem:s31], [sflag:$0x4], $0x80, $0x38;
	[tilespmem:$0xE800] =	vst v63  }
0x1b4: {  	s1 =	sadd.s32 $0x50, s29;
	s31 =	simm.s32 $0xD9A8  }
0x1b5: {  	[hbm4b:s1+s3] =	stream.linear.scatter [tilespmem:s31], [sflag:$0x4], $0x80, $0x38;
	[tilespmem:$0xE800] =	vst v63  }
0x1b6: {  	s1 =	sadd.s32 $0x60, s29;
	s31 =	simm.s32 $0xDA30  }
0x1b7: {  	[hbm4b:s1+s3] =	stream.linear.scatter [tilespmem:s31], [sflag:$0x4], $0x80, $0x38;
	[tilespmem:$0xE800] =	vst v63  }
0x1b8: {  	s30 =	simm.s32 $0xDAB8;
	s29 =	sadd.s32 $0x70, s29  }
0x1b9: {  	[hbm4b:s29+s3] =	stream.linear.scatter [tilespmem:s30], [sflag:$0x4], $0x80, $0x38;
	[tilespmem:$0xE800] =	vst v63  }
0x1ba: {  	s31 =	simm.s32 $0xDB40;
	s29 =	sadd.s32 s28, s11  }
0x1bb: {  	[hbm4b:s29+s3] =	stream.linear.scatter [tilespmem:s31], [sflag:$0x4], $0x80, $0x38;
	[tilespmem:$0xE800] =	vst v63  }
0x1bc: {  	s1 =	sadd.s32 $0x10, s29;
	s31 =	simm.s32 $0xDBC8  }
0x1bd: {  	[hbm4b:s1+s3] =	stream.linear.scatter [tilespmem:s31], [sflag:$0x4], $0x80, $0x38;
	[tilespmem:$0xE800] =	vst v63  }
0x1be: {  	s1 =	sadd.s32 $0x20, s29;
	s31 =	simm.s32 $0xDC50  }
0x1bf: {  	[hbm4b:s1+s3] =	stream.linear.scatter [tilespmem:s31], [sflag:$0x4], $0x80, $0x38;
	[tilespmem:$0xE800] =	vst v63  }
0x1c0: {  	s1 =	sadd.s32 $0x30, s29;
	s31 =	simm.s32 $0xDCD8  }
0x1c1: {  	[hbm4b:s1+s3] =	stream.linear.scatter [tilespmem:s31], [sflag:$0x4], $0x80, $0x38;
	[tilespmem:$0xE800] =	vst v63  }
0x1c2: {  	s1 =	sadd.s32 $0x40, s29;
	s31 =	simm.s32 $0xDD60  }
0x1c3: {  	[hbm4b:s1+s3] =	stream.linear.scatter [tilespmem:s31], [sflag:$0x4], $0x80, $0x38;
	[tilespmem:$0xE800] =	vst v63  }
0x1c4: {  	s1 =	sadd.s32 $0x50, s29;
	s31 =	simm.s32 $0xDDE8  }
0x1c5: {  	[hbm4b:s1+s3] =	stream.linear.scatter [tilespmem:s31], [sflag:$0x4], $0x80, $0x38;
	[tilespmem:$0xE800] =	vst v63  }
0x1c6: {  	s1 =	sadd.s32 $0x60, s29;
	s31 =	simm.s32 $0xDE70  }
0x1c7: {  	[hbm4b:s1+s3] =	stream.linear.scatter [tilespmem:s31], [sflag:$0x4], $0x80, $0x38;
	[tilespmem:$0xE800] =	vst v63  }
0x1c8: {  	s30 =	simm.s32 $0xDEF8;
	s29 =	sadd.s32 $0x70, s29  }
0x1c9: {  	[hbm4b:s29+s3] =	stream.linear.scatter [tilespmem:s30], [sflag:$0x4], $0x80, $0x38;
	[tilespmem:$0xE800] =	vst v63  }
0x1ca: {  	s31 =	simm.s32 $0xDF80;
	s29 =	sadd.s32 s28, s12  }
0x1cb: {  	[hbm4b:s29+s3] =	stream.linear.scatter [tilespmem:s31], [sflag:$0x4], $0x80, $0x38;
	[tilespmem:$0xE800] =	vst v63  }
0x1cc: {  	s1 =	sadd.s32 $0x10, s29;
	s31 =	simm.s32 $0xE008  }
0x1cd: {  	[hbm4b:s1+s3] =	stream.linear.scatter [tilespmem:s31], [sflag:$0x4], $0x80, $0x38;
	[tilespmem:$0xE800] =	vst v63  }
0x1ce: {  	s1 =	sadd.s32 $0x20, s29;
	s31 =	simm.s32 $0xE090  }
0x1cf: {  	[hbm4b:s1+s3] =	stream.linear.scatter [tilespmem:s31], [sflag:$0x4], $0x80, $0x38;
	[tilespmem:$0xE800] =	vst v63  }
0x1d0: {  	s1 =	sadd.s32 $0x30, s29;
	s31 =	simm.s32 $0xE118  }
0x1d1: {  	[hbm4b:s1+s3] =	stream.linear.scatter [tilespmem:s31], [sflag:$0x4], $0x80, $0x38;
	[tilespmem:$0xE800] =	vst v63  }
0x1d2: {  	s1 =	sadd.s32 $0x40, s29;
	s31 =	simm.s32 $0xE1A0  }
0x1d3: {  	[hbm4b:s1+s3] =	stream.linear.scatter [tilespmem:s31], [sflag:$0x4], $0x80, $0x38;
	[tilespmem:$0xE800] =	vst v63  }
0x1d4: {  	s1 =	sadd.s32 $0x50, s29;
	s31 =	simm.s32 $0xE228  }
0x1d5: {  	[hbm4b:s1+s3] =	stream.linear.scatter [tilespmem:s31], [sflag:$0x4], $0x80, $0x38;
	[tilespmem:$0xE800] =	vst v63  }
0x1d6: {  	s1 =	sadd.s32 $0x60, s29;
	s31 =	simm.s32 $0xE2B0  }
0x1d7: {  	[hbm4b:s1+s3] =	stream.linear.scatter [tilespmem:s31], [sflag:$0x4], $0x80, $0x38;
	[tilespmem:$0xE800] =	vst v63  }
0x1d8: {  	s29 =	sadd.s32 $0x70, s29;
	s31 =	simm.s32 $0xE338  }
0x1d9: {  	[hbm4b:s29+s3] =	stream.linear.scatter [tilespmem:s31], [sflag:$0x4], $0x80, $0x38;
	[tilespmem:$0xE800] =	vst v63  }
0x1da: {  	s28 =	sadd.s32 s28, s13  }
0x1db: {  	[hbm4b:s28+s3] =	stream.linear.scatter [tilespmem:s0], [sflag:$0x4], $0x80, $0x38;
	[tilespmem:$0xE800] =	vst v63  }
0x1dc: {  	s1 =	sadd.s32 $0x10, s28  }
0x1dd: {  	[hbm4b:s1+s3] =	stream.linear.scatter [tilespmem:s17], [sflag:$0x4], $0x80, $0x38;
	[tilespmem:$0xE800] =	vst v63  }
0x1de: {  	s30 =	sadd.s32 $0x20, s28  }
0x1df: {  	[hbm4b:s30+s3] =	stream.linear.scatter [tilespmem:s18], [sflag:$0x4], $0x80, $0x38;
	[tilespmem:$0xE800] =	vst v63  }
0x1e0: {  	s31 =	sadd.s32 $0x30, s28  }
0x1e1: {  	[hbm4b:s31+s3] =	stream.linear.scatter [tilespmem:s21], [sflag:$0x4], $0x80, $0x38;
	[tilespmem:$0xE800] =	vst v63  }
0x1e2: {  	s26 =	sadd.s32 $0x1, s26;
	s1 =	sadd.s32 $0x40, s28  }
0x1e3: {  	[hbm4b:s1+s3] =	stream.linear.scatter [tilespmem:s22], [sflag:$0x4], $0x80, $0x38;
	[tilespmem:$0xE800] =	vst v63  }
0x1e4: {  	p0 =	sne.s32 s26, $0x64;
	s30 =	sadd.s32 $0x50, s28  }
0x1e5: {  	[hbm4b:s30+s3] =	stream.linear.scatter [tilespmem:s23], [sflag:$0x4], $0x80, $0x38;
	[tilespmem:$0xE800] =	vst v63  }
.Ltmp5:
0x1e6: {  	_ = 	snop;
	(pc) =	sbr.rel @p0 .LBB2_2-.Ltmp5, $4  }
0x1e7: {  	s31 =	sadd.s32 $0x60, s28  }
0x1e8: {  	[hbm4b:s31+s3] =	stream.linear.scatter [tilespmem:s24], [sflag:$0x4], $0x80, $0x38;
	[tilespmem:$0xE800] =	vst v63  }
0x1e9: {  	s28 =	sadd.s32 $0x70, s28  }
0x1ea: {  	[hbm4b:s28+s3] =	stream.linear.scatter [tilespmem:s25], [sflag:$0x4], $0x80, $0x38;
	[tilespmem:$0xE800] =	vst v63  }
0x1eb: {  	s1 =	simm.s32 $0x3  }
0x1ec: {  	_ =	swait.ge [sflag:s1], $0x400  }
0x1ed: {  	[sflag:s1] =	ssyncset.done $0x0  }
0x1ee: {  	[sflag:s1] =	ssyncadd.s32 $0xFFFFFC00  }
0x1ef: {  	_ =	swait.ge [sflag:s1], $0x400  }
0x1f0: {  	[sflag:s1] =	ssyncset.done $0x0  }
0x1f1: {  	[sflag:s1] =	ssyncadd.s32 $0xFFFFFC00  }
0x1f2: {  	_ =	swait.ge [sflag:s1], $0x400  }
0x1f3: {  	[sflag:s1] =	ssyncset.done $0x0  }
0x1f4: {  	[sflag:s1] =	ssyncadd.s32 $0xFFFFFC00  }
0x1f5: {  	_ =	swait.ge [sflag:s1], $0x400  }
0x1f6: {  	[sflag:s1] =	ssyncset.done $0x0  }
0x1f7: {  	[sflag:s1] =	ssyncadd.s32 $0xFFFFFC00  }
0x1f8: {  	_ =	swait.ge [sflag:s1], $0x400  }
0x1f9: {  	[sflag:s1] =	ssyncset.done $0x0  }
0x1fa: {  	[sflag:s1] =	ssyncadd.s32 $0xFFFFFC00  }
0x1fb: {  	_ =	swait.ge [sflag:s1], $0x400  }
0x1fc: {  	[sflag:s1] =	ssyncset.done $0x0  }
0x1fd: {  	[sflag:s1] =	ssyncadd.s32 $0xFFFFFC00  }
0x1fe: {  	_ =	swait.ge [sflag:s1], $0x400  }
0x1ff: {  	[sflag:s1] =	ssyncset.done $0x0  }
0x200: {  	[sflag:s1] =	ssyncadd.s32 $0xFFFFFC00  }
0x201: {  	_ =	swait.ge [sflag:s1], $0x400  }
0x202: {  	[sflag:s1] =	ssyncset.done $0x0  }
0x203: {  	[sflag:s1] =	ssyncadd.s32 $0xFFFFFC00  }
0x204: {  	_ =	swait.ge [sflag:s14], $0x400  }
0x205: {  	[sflag:s14] =	ssyncset.done $0x0  }
0x206: {  	[sflag:s14] =	ssyncadd.s32 $0xFFFFFC00  }
0x207: {  	_ =	swait.ge [sflag:s14], $0x400  }
0x208: {  	[sflag:s14] =	ssyncset.done $0x0  }
0x209: {  	[sflag:s14] =	ssyncadd.s32 $0xFFFFFC00  }
0x20a: {  	_ =	swait.ge [sflag:s14], $0x400  }
0x20b: {  	[sflag:s14] =	ssyncset.done $0x0  }
0x20c: {  	[sflag:s14] =	ssyncadd.s32 $0xFFFFFC00  }
0x20d: {  	_ =	swait.ge [sflag:s14], $0x400  }
0x20e: {  	[sflag:s14] =	ssyncset.done $0x0  }
0x20f: {  	[sflag:s14] =	ssyncadd.s32 $0xFFFFFC00  }
0x210: {  	_ =	swait.ge [sflag:s14], $0x400  }
0x211: {  	[sflag:s14] =	ssyncset.done $0x0  }
0x212: {  	[sflag:s14] =	ssyncadd.s32 $0xFFFFFC00  }
0x213: {  	_ =	swait.ge [sflag:s14], $0x400  }
0x214: {  	[sflag:s14] =	ssyncset.done $0x0  }
0x215: {  	[sflag:s14] =	ssyncadd.s32 $0xFFFFFC00  }
0x216: {  	_ =	swait.ge [sflag:s14], $0x400  }
0x217: {  	[sflag:s14] =	ssyncset.done $0x0  }
0x218: {  	[sflag:s14] =	ssyncadd.s32 $0xFFFFFC00  }
0x219: {  	_ =	swait.ge [sflag:s14], $0x400  }
0x21a: {  	s31 =	rddreg [dreg:$0x5]  }
0x21b: {  	s26 =	rddreg [dreg:$0x4];
	s1 =	sadd.s32 $0x1, s31  }
0x21c: {  	p0 =	sne.s32 s1, s26  }
.Ltmp6:
0x21d: {  	_ = 	snop;
	(pc) =	sbr.rel @p0 .LBB2_1-.Ltmp6, $3  }
0x21e: {  	_ =	sdelay $0x1  }
0x21f: {  	[sflag:s14] =	ssyncset.done $0x0  }
0x220: {  	[sflag:s14] =	ssyncadd.s32 $0xFFFFFC00  }
0x221: {  	_ =	sfence.sel $0x180000  }
0x222: {  	[bflag:$0x0] =	sbarrier.arrive $0xFFFF  }
0x223: {  	_ =	strace $0x90000047  }
0x224: {  	s0 =	stileid.u32;
	[bflag:$0x2] =	sbarrier.arrive $0xFFFF  }
0x225: {  	p0 =	sne.s32 s0, $0x0;
	s0 =	rddreg [dreg:$0x2]  }
0x226: {  	s0 =	sadd.s32 @!p0 $0x100000, s0  }
0x227: {  	[sflag:s0] =	ssyncadd.tile.s32 @!p0 $0x1;
	_ =	shalt  }
.Lfunc_end2:
_tile_overlayer_lowered:
.L_overlay_start_2:
0x228: {  	(tag) =	ssettag $0x2  }
0x229: {  	s0 =	rddreg [dreg:$0x0];
	s2 =	stileid.u32  }
0x22a: {  	s1 =	rddreg [dreg:$0x1];
	p0 =	sne.s32 s2, $0x0  }
0x22b: {  	s3 =	rddreg [dreg:$0x2];
	[bflag:$0x3] =	sbarrier.arrive $0xFFFF;
	s2 =	simm.s32 @!p0 $0x1C05  }
0x22c: {  	[timem:s3], [sflag:s2] =	dma.local @!p0 [hbm:s0], s1  }
0x22d: {  	s0 =	simm.s32 @!p0 $0x5  }
0x22e: {  	_ =	swait.ge @!p0 [sflag:s0], s1  }
0x22f: {  	s1 =	ssub.s32 @!p0 $0x0, s1;
	[sflag:s0] =	ssyncset.done @!p0 $0x0  }
0x230: {  	[sflag:s0] =	ssyncadd.s32 @!p0 s1  }
0x231: {  	[bflag:$0x3] =	sbarrier.arrive $0xFFFF  }
0x232: {  	_ =	shalt  }

</sc_bundles>
